<compile_context>
chip_gen: v7x
topology: tpu7x:2x2x1
jax: 0.10.2.dev20260603
libtpu: 0.0.44.dev20260713+nightly
codegen_flags: <defaults>
</compile_context>

<pallas_src>
import jax
import jax.numpy as jnp
from jax import lax
from jax.experimental import pallas as pl
from jax.experimental.pallas import tpu as pltpu
from jax.experimental.pallas import tpu_sc as plsc

VOCAB = 100000
D = 64
T = 200
B = 1024

NC = 2
NS = 16
NW = NC * NS
ROWS_PER_W = B // NW
NBUF = 4
LANES = 16
EMBED_SCALE = 8.0

SPLITS = ((0, 104), (104, 96))


def _body(idx_hbm, table_hbm, pos_hbm, out_hbm,
          pos_v, idx_all, rows_v, out_v,
          sem_g0, sem_g1, sem_g2, sem_g3, sem_w0, sem_w1, sem_w2, sem_w3):
    wid = lax.axis_index("s") * NC + lax.axis_index("c")
    base = wid * ROWS_PER_W
    sem_g = (sem_g0, sem_g1, sem_g2, sem_g3)
    sem_w = (sem_w0, sem_w1, sem_w2, sem_w3)

    pltpu.sync_copy(pos_hbm, pos_v)
    pltpu.sync_copy(idx_hbm.at[pl.ds(base * T, ROWS_PER_W * T)], idx_all)

    def gather_half(r, u, h):
        off, ln = SPLITS[h]
        start = pl.multiple_of(r * T, 8) + off
        return pltpu.make_async_copy(
            table_hbm.at[idx_all.at[pl.ds(start, ln)]],
            rows_v.at[u, pl.ds(off, ln)], sem_g[u])

    def writeback(r, u):
        return pltpu.make_async_copy(out_v.at[u], out_hbm.at[base + r], sem_w[u])

    for u in range(NBUF):
        gather_half(u, u, 0).start()
        gather_half(u, u, 1).start()

    def iter_body(it, carry):
        for u in range(NBUF):
            r = it * NBUF + u
            gather_half(r, u, 0).wait()
            gather_half(r, u, 1).wait()

            @pl.when(it > 0)
            def _():
                writeback(r - NBUF, u).wait()

            @plsc.parallel_loop(0, T, 1, unroll=8)
            def _compute(i):
                for c in range(D // LANES):
                    sl = pl.ds(c * LANES, LANES)
                    out_v[u, i, sl] = (
                        rows_v[u, i, sl] * EMBED_SCALE
                        + pos_v[pl.ds(i * D + c * LANES, LANES)])

            @pl.when(it + 1 < ROWS_PER_W // NBUF)
            def _():
                gather_half(r + NBUF, u, 0).start()
                gather_half(r + NBUF, u, 1).start()

            writeback(r, u).start()
        return carry

    lax.fori_loop(0, ROWS_PER_W // NBUF, iter_body, 0)
    for u in range(NBUF):
        writeback(ROWS_PER_W - NBUF + u, u).wait()


@jax.jit
def kernel(indices, token_table, pos_table):
    idx_flat = indices.reshape(B * T)
    pos_flat = pos_table.reshape(T * D)
    mesh = plsc.VectorSubcoreMesh(core_axis_name="c", subcore_axis_name="s")
    run = pl.kernel(
        _body,
        out_type=jax.ShapeDtypeStruct((B, T, D), jnp.float32),
        mesh=mesh,
        scratch_types=[
            pltpu.VMEM((T * D,), jnp.float32),
            pltpu.VMEM((ROWS_PER_W * T,), jnp.int32),
            pltpu.VMEM((NBUF, T, D), jnp.float32),
            pltpu.VMEM((NBUF, T, D), jnp.float32),
        ] + [pltpu.SemaphoreType.DMA] * 8,
        compiler_params=pltpu.CompilerParams(use_tc_tiling_on_sc=False),
    )
    return run(idx_flat, token_table, pos_flat)

# --- scband reference (transcript-rebuilt; emitter-appended) ---
"""Pipeline reference for scband-positional-embedding-25159918420572 (READ-ONLY COPY).

The authoritative reference and input builder live on the scoring server;
editing this copy changes nothing except your own understanding.
"""

import jax, jax.numpy as jnp
import numpy as np

VOCAB = 100000
EMBED_DIM = 64
MAX_SEQ = 200
BATCH = 1024


def setup_inputs(seed: int = 0) -> dict:
    key = jax.random.key(seed)
    k1, k2, k3 = jax.random.split(key, 3)
    indices = jax.random.randint(k1, (BATCH, MAX_SEQ), 0, VOCAB, dtype=jnp.int32)
    token_table = jax.random.normal(k2, (VOCAB, EMBED_DIM), dtype=jnp.float32) * 0.02
    pos_table = jax.random.normal(k3, (MAX_SEQ, EMBED_DIM), dtype=jnp.float32) * 0.02
    return {"indices": indices, "token_table": token_table, "pos_table": pos_table}


def reference(indices, token_table, pos_table):
    length = indices.shape[-1]
    positions = jnp.arange(0, length, 1)
    embed_scale = jnp.sqrt(jnp.asarray(EMBED_DIM, dtype=jnp.float32))
    embedded_tokens = jnp.take(token_table, indices, axis=0).astype(jnp.float32) * embed_scale
    embedded_positions = jnp.take(pos_table, positions, axis=0).astype(jnp.float32)
    return embedded_tokens + embedded_positions

if __name__ == "__main__":
    import jax
    _d = setup_inputs()
    print(jax.jit(kernel)(*tuple(_d.values())))

</pallas_src>

<mosaic_0001>
#map = affine_map<(d0, d1) -> (0)>
#map1 = affine_map<(d0, d1) -> (0, 0)>
#map2 = affine_map<(d0, d1) -> (0, 0, 0)>
module attributes {stable_mosaic.version = 14 : i64} {
  func.func @_body(%arg0: i32, %arg1: i32, %arg2: memref<204800xi32, #tpu.memory_space<hbm>>, %arg3: memref<100000x64xf32, #tpu.memory_space<hbm>>, %arg4: memref<12800xf32, #tpu.memory_space<hbm>>, %arg5: memref<1024x200x64xf32, #tpu.memory_space<hbm>>, %arg6: memref<12800xf32, #tpu.memory_space<vmem>>, %arg7: memref<6400xi32, #tpu.memory_space<vmem>>, %arg8: memref<4x200x64xf32, #tpu.memory_space<vmem>>, %arg9: memref<4x200x64xf32, #tpu.memory_space<vmem>>, %arg10: memref<!tpu.dma_semaphore, #tpu.memory_space<semaphore_mem>>, %arg11: memref<!tpu.dma_semaphore, #tpu.memory_space<semaphore_mem>>, %arg12: memref<!tpu.dma_semaphore, #tpu.memory_space<semaphore_mem>>, %arg13: memref<!tpu.dma_semaphore, #tpu.memory_space<semaphore_mem>>, %arg14: memref<!tpu.dma_semaphore, #tpu.memory_space<semaphore_mem>>, %arg15: memref<!tpu.dma_semaphore, #tpu.memory_space<semaphore_mem>>, %arg16: memref<!tpu.dma_semaphore, #tpu.memory_space<semaphore_mem>>, %arg17: memref<!tpu.dma_semaphore, #tpu.memory_space<semaphore_mem>>) attributes {dimension_semantics = [#tpu.dimension_semantics<core_parallel>, #tpu.dimension_semantics<subcore_parallel>], iteration_bounds = array<i64: 2, 16>, scalar_prefetch = 0 : i64, scratch_operands = 12 : i64, tpu.core_type = #tpu.core_type<sc_vector_subcore>, window_params = [{transform_indices = #map}, {transform_indices = #map1}, {transform_indices = #map}, {transform_indices = #map2}]} {
    %mul3A = arith.constant 2 : i32
    %mul3A_0 = arith.muli %arg1, %mul3A : i32
    %add3A = arith.addi %mul3A_0, %arg0 : i32
    %mul3A_1 = arith.constant 32 : i32
    %mul3A_2 = arith.muli %add3A, %mul3A_1 : i32
    "tpu.region"() ({
      %run_scoped3A = tpu.sem_alloc : memref<!tpu.dma_semaphore, #tpu.memory_space<semaphore_mem>>
      tpu.enqueue_dma source(%arg4 : memref<12800xf32, #tpu.memory_space<hbm>>) target(%arg6 : memref<12800xf32, #tpu.memory_space<vmem>>) target_semaphore(%run_scoped3A : memref<!tpu.dma_semaphore, #tpu.memory_space<semaphore_mem>>)
      tpu.wait_dma2 semaphore(%run_scoped3A : memref<!tpu.dma_semaphore, #tpu.memory_space<semaphore_mem>>) src(%arg4 : memref<12800xf32, #tpu.memory_space<hbm>>) dst(%arg6 : memref<12800xf32, #tpu.memory_space<vmem>>)
      tpu.yield
    }) : () -> ()
    %mul3A_3 = arith.constant 200 : i32
    %mul3A_4 = arith.muli %mul3A_2, %mul3A_3 : i32
    "tpu.region"() ({
      %run_scoped3A = tpu.sem_alloc : memref<!tpu.dma_semaphore, #tpu.memory_space<semaphore_mem>>
      %dma_start3A_187 = tpu.memref_slice %arg2[%mul3A_4] : memref<204800xi32, #tpu.memory_space<hbm>> -> memref<6400xi32, #tpu.memory_space<hbm>>
      %dma_start3A_188 = tpu.memref_slice %arg2[%mul3A_4] : memref<204800xi32, #tpu.memory_space<hbm>> -> memref<6400xi32, #tpu.memory_space<hbm>>
      tpu.enqueue_dma source(%dma_start3A_188 : memref<6400xi32, #tpu.memory_space<hbm>>) target(%arg7 : memref<6400xi32, #tpu.memory_space<vmem>>) target_semaphore(%run_scoped3A : memref<!tpu.dma_semaphore, #tpu.memory_space<semaphore_mem>>)
      %dma_wait3A_189 = tpu.memref_slice %arg2[%mul3A_4] : memref<204800xi32, #tpu.memory_space<hbm>> -> memref<6400xi32, #tpu.memory_space<hbm>>
      %dma_wait3A_190 = tpu.memref_slice %arg2[%mul3A_4] : memref<204800xi32, #tpu.memory_space<hbm>> -> memref<6400xi32, #tpu.memory_space<hbm>>
      tpu.wait_dma2 semaphore(%run_scoped3A : memref<!tpu.dma_semaphore, #tpu.memory_space<semaphore_mem>>) src(%dma_wait3A_190 : memref<6400xi32, #tpu.memory_space<hbm>>) dst(%arg7 : memref<6400xi32, #tpu.memory_space<vmem>>)
      tpu.yield
    }) : () -> ()
    %multiple_of3A = arith.constant 0 : i32
    %multiple_of3A_5 = tpu.assume_multiple %multiple_of3A, 8 : i32
    %add3A_6 = arith.constant 0 : i32
    %add3A_7 = arith.addi %multiple_of3A_5, %add3A_6 : i32
    %dma_start3A = arith.constant 0 : i32
    %dma_start3A_8 = arith.constant 0 : i32
    %dma_start3A_9 = arith.constant 0 : i32
    %dma_start3A_10 = tpu.memref_slice %arg8[%dma_start3A, %dma_start3A_8, %dma_start3A_9] : memref<4x200x64xf32, #tpu.memory_space<vmem>> -> memref<1x104x64xf32, #tpu.memory_space<vmem>>
    %dma_start3A_11 = tpu.memref_squeeze %dma_start3A_10 : memref<1x104x64xf32, #tpu.memory_space<vmem>> -> memref<104x64xf32, #tpu.memory_space<vmem>>
    %dma_start3A_12 = tpu.memref_slice %arg7[%add3A_7] : memref<6400xi32, #tpu.memory_space<vmem>> -> memref<104xi32, #tpu.memory_space<vmem>>
    %dma_start3A_13 = arith.constant 0 : i32
    %dma_start3A_14 = arith.constant 0 : i32
    %dma_start3A_15 = tpu.memref_slice %arg3[%dma_start3A_13, %dma_start3A_14] : memref<100000x64xf32, #tpu.memory_space<hbm>> -> memref<100000x64xf32, #tpu.memory_space<hbm>>
    tpu.enqueue_indirect_dma source(%dma_start3A_15 : memref<100000x64xf32, #tpu.memory_space<hbm>>) target(%dma_start3A_11 : memref<104x64xf32, #tpu.memory_space<vmem>>) offsets(%dma_start3A_12 : memref<104xi32, #tpu.memory_space<vmem>>) semaphore(%arg10 : memref<!tpu.dma_semaphore, #tpu.memory_space<semaphore_mem>>)
    %multiple_of3A_16 = arith.constant 0 : i32
    %multiple_of3A_17 = tpu.assume_multiple %multiple_of3A_16, 8 : i32
    %add3A_18 = arith.constant 104 : i32
    %add3A_19 = arith.addi %multiple_of3A_17, %add3A_18 : i32
    %dma_start3A_20 = arith.constant 0 : i32
    %dma_start3A_21 = arith.constant 104 : i32
    %dma_start3A_22 = arith.constant 0 : i32
    %dma_start3A_23 = tpu.memref_slice %arg8[%dma_start3A_20, %dma_start3A_21, %dma_start3A_22] : memref<4x200x64xf32, #tpu.memory_space<vmem>> -> memref<1x96x64xf32, #tpu.memory_space<vmem>>
    %dma_start3A_24 = tpu.memref_squeeze %dma_start3A_23 : memref<1x96x64xf32, #tpu.memory_space<vmem>> -> memref<96x64xf32, #tpu.memory_space<vmem>>
    %dma_start3A_25 = tpu.memref_slice %arg7[%add3A_19] : memref<6400xi32, #tpu.memory_space<vmem>> -> memref<96xi32, #tpu.memory_space<vmem>>
    %dma_start3A_26 = arith.constant 0 : i32
    %dma_start3A_27 = arith.constant 0 : i32
    %dma_start3A_28 = tpu.memref_slice %arg3[%dma_start3A_26, %dma_start3A_27] : memref<100000x64xf32, #tpu.memory_space<hbm>> -> memref<100000x64xf32, #tpu.memory_space<hbm>>
    tpu.enqueue_indirect_dma source(%dma_start3A_28 : memref<100000x64xf32, #tpu.memory_space<hbm>>) target(%dma_start3A_24 : memref<96x64xf32, #tpu.memory_space<vmem>>) offsets(%dma_start3A_25 : memref<96xi32, #tpu.memory_space<vmem>>) semaphore(%arg10 : memref<!tpu.dma_semaphore, #tpu.memory_space<semaphore_mem>>)
    %multiple_of3A_29 = arith.constant 200 : i32
    %multiple_of3A_30 = tpu.assume_multiple %multiple_of3A_29, 8 : i32
    %add3A_31 = arith.constant 0 : i32
    %add3A_32 = arith.addi %multiple_of3A_30, %add3A_31 : i32
    %dma_start3A_33 = arith.constant 1 : i32
    %dma_start3A_34 = arith.constant 0 : i32
    %dma_start3A_35 = arith.constant 0 : i32
    %dma_start3A_36 = tpu.memref_slice %arg8[%dma_start3A_33, %dma_start3A_34, %dma_start3A_35] : memref<4x200x64xf32, #tpu.memory_space<vmem>> -> memref<1x104x64xf32, #tpu.memory_space<vmem>>
    %dma_start3A_37 = tpu.memref_squeeze %dma_start3A_36 : memref<1x104x64xf32, #tpu.memory_space<vmem>> -> memref<104x64xf32, #tpu.memory_space<vmem>>
    %dma_start3A_38 = tpu.memref_slice %arg7[%add3A_32] : memref<6400xi32, #tpu.memory_space<vmem>> -> memref<104xi32, #tpu.memory_space<vmem>>
    %dma_start3A_39 = arith.constant 0 : i32
    %dma_start3A_40 = arith.constant 0 : i32
    %dma_start3A_41 = tpu.memref_slice %arg3[%dma_start3A_39, %dma_start3A_40] : memref<100000x64xf32, #tpu.memory_space<hbm>> -> memref<100000x64xf32, #tpu.memory_space<hbm>>
    tpu.enqueue_indirect_dma source(%dma_start3A_41 : memref<100000x64xf32, #tpu.memory_space<hbm>>) target(%dma_start3A_37 : memref<104x64xf32, #tpu.memory_space<vmem>>) offsets(%dma_start3A_38 : memref<104xi32, #tpu.memory_space<vmem>>) semaphore(%arg11 : memref<!tpu.dma_semaphore, #tpu.memory_space<semaphore_mem>>)
    %multiple_of3A_42 = arith.constant 200 : i32
    %multiple_of3A_43 = tpu.assume_multiple %multiple_of3A_42, 8 : i32
    %add3A_44 = arith.constant 104 : i32
    %add3A_45 = arith.addi %multiple_of3A_43, %add3A_44 : i32
    %dma_start3A_46 = arith.constant 1 : i32
    %dma_start3A_47 = arith.constant 104 : i32
    %dma_start3A_48 = arith.constant 0 : i32
    %dma_start3A_49 = tpu.memref_slice %arg8[%dma_start3A_46, %dma_start3A_47, %dma_start3A_48] : memref<4x200x64xf32, #tpu.memory_space<vmem>> -> memref<1x96x64xf32, #tpu.memory_space<vmem>>
    %dma_start3A_50 = tpu.memref_squeeze %dma_start3A_49 : memref<1x96x64xf32, #tpu.memory_space<vmem>> -> memref<96x64xf32, #tpu.memory_space<vmem>>
    %dma_start3A_51 = tpu.memref_slice %arg7[%add3A_45] : memref<6400xi32, #tpu.memory_space<vmem>> -> memref<96xi32, #tpu.memory_space<vmem>>
    %dma_start3A_52 = arith.constant 0 : i32
    %dma_start3A_53 = arith.constant 0 : i32
    %dma_start3A_54 = tpu.memref_slice %arg3[%dma_start3A_52, %dma_start3A_53] : memref<100000x64xf32, #tpu.memory_space<hbm>> -> memref<100000x64xf32, #tpu.memory_space<hbm>>
    tpu.enqueue_indirect_dma source(%dma_start3A_54 : memref<100000x64xf32, #tpu.memory_space<hbm>>) target(%dma_start3A_50 : memref<96x64xf32, #tpu.memory_space<vmem>>) offsets(%dma_start3A_51 : memref<96xi32, #tpu.memory_space<vmem>>) semaphore(%arg11 : memref<!tpu.dma_semaphore, #tpu.memory_space<semaphore_mem>>)
    %multiple_of3A_55 = arith.constant 400 : i32
    %multiple_of3A_56 = tpu.assume_multiple %multiple_of3A_55, 8 : i32
    %add3A_57 = arith.constant 0 : i32
    %add3A_58 = arith.addi %multiple_of3A_56, %add3A_57 : i32
    %dma_start3A_59 = arith.constant 2 : i32
    %dma_start3A_60 = arith.constant 0 : i32
    %dma_start3A_61 = arith.constant 0 : i32
    %dma_start3A_62 = tpu.memref_slice %arg8[%dma_start3A_59, %dma_start3A_60, %dma_start3A_61] : memref<4x200x64xf32, #tpu.memory_space<vmem>> -> memref<1x104x64xf32, #tpu.memory_space<vmem>>
    %dma_start3A_63 = tpu.memref_squeeze %dma_start3A_62 : memref<1x104x64xf32, #tpu.memory_space<vmem>> -> memref<104x64xf32, #tpu.memory_space<vmem>>
    %dma_start3A_64 = tpu.memref_slice %arg7[%add3A_58] : memref<6400xi32, #tpu.memory_space<vmem>> -> memref<104xi32, #tpu.memory_space<vmem>>
    %dma_start3A_65 = arith.constant 0 : i32
    %dma_start3A_66 = arith.constant 0 : i32
    %dma_start3A_67 = tpu.memref_slice %arg3[%dma_start3A_65, %dma_start3A_66] : memref<100000x64xf32, #tpu.memory_space<hbm>> -> memref<100000x64xf32, #tpu.memory_space<hbm>>
    tpu.enqueue_indirect_dma source(%dma_start3A_67 : memref<100000x64xf32, #tpu.memory_space<hbm>>) target(%dma_start3A_63 : memref<104x64xf32, #tpu.memory_space<vmem>>) offsets(%dma_start3A_64 : memref<104xi32, #tpu.memory_space<vmem>>) semaphore(%arg12 : memref<!tpu.dma_semaphore, #tpu.memory_space<semaphore_mem>>)
    %multiple_of3A_68 = arith.constant 400 : i32
    %multiple_of3A_69 = tpu.assume_multiple %multiple_of3A_68, 8 : i32
    %add3A_70 = arith.constant 104 : i32
    %add3A_71 = arith.addi %multiple_of3A_69, %add3A_70 : i32
    %dma_start3A_72 = arith.constant 2 : i32
    %dma_start3A_73 = arith.constant 104 : i32
    %dma_start3A_74 = arith.constant 0 : i32
    %dma_start3A_75 = tpu.memref_slice %arg8[%dma_start3A_72, %dma_start3A_73, %dma_start3A_74] : memref<4x200x64xf32, #tpu.memory_space<vmem>> -> memref<1x96x64xf32, #tpu.memory_space<vmem>>
    %dma_start3A_76 = tpu.memref_squeeze %dma_start3A_75 : memref<1x96x64xf32, #tpu.memory_space<vmem>> -> memref<96x64xf32, #tpu.memory_space<vmem>>
    %dma_start3A_77 = tpu.memref_slice %arg7[%add3A_71] : memref<6400xi32, #tpu.memory_space<vmem>> -> memref<96xi32, #tpu.memory_space<vmem>>
    %dma_start3A_78 = arith.constant 0 : i32
    %dma_start3A_79 = arith.constant 0 : i32
    %dma_start3A_80 = tpu.memref_slice %arg3[%dma_start3A_78, %dma_start3A_79] : memref<100000x64xf32, #tpu.memory_space<hbm>> -> memref<100000x64xf32, #tpu.memory_space<hbm>>
    tpu.enqueue_indirect_dma source(%dma_start3A_80 : memref<100000x64xf32, #tpu.memory_space<hbm>>) target(%dma_start3A_76 : memref<96x64xf32, #tpu.memory_space<vmem>>) offsets(%dma_start3A_77 : memref<96xi32, #tpu.memory_space<vmem>>) semaphore(%arg12 : memref<!tpu.dma_semaphore, #tpu.memory_space<semaphore_mem>>)
    %multiple_of3A_81 = arith.constant 600 : i32
    %multiple_of3A_82 = tpu.assume_multiple %multiple_of3A_81, 8 : i32
    %add3A_83 = arith.constant 0 : i32
    %add3A_84 = arith.addi %multiple_of3A_82, %add3A_83 : i32
    %dma_start3A_85 = arith.constant 3 : i32
    %dma_start3A_86 = arith.constant 0 : i32
    %dma_start3A_87 = arith.constant 0 : i32
    %dma_start3A_88 = tpu.memref_slice %arg8[%dma_start3A_85, %dma_start3A_86, %dma_start3A_87] : memref<4x200x64xf32, #tpu.memory_space<vmem>> -> memref<1x104x64xf32, #tpu.memory_space<vmem>>
    %dma_start3A_89 = tpu.memref_squeeze %dma_start3A_88 : memref<1x104x64xf32, #tpu.memory_space<vmem>> -> memref<104x64xf32, #tpu.memory_space<vmem>>
    %dma_start3A_90 = tpu.memref_slice %arg7[%add3A_84] : memref<6400xi32, #tpu.memory_space<vmem>> -> memref<104xi32, #tpu.memory_space<vmem>>
    %dma_start3A_91 = arith.constant 0 : i32
    %dma_start3A_92 = arith.constant 0 : i32
    %dma_start3A_93 = tpu.memref_slice %arg3[%dma_start3A_91, %dma_start3A_92] : memref<100000x64xf32, #tpu.memory_space<hbm>> -> memref<100000x64xf32, #tpu.memory_space<hbm>>
    tpu.enqueue_indirect_dma source(%dma_start3A_93 : memref<100000x64xf32, #tpu.memory_space<hbm>>) target(%dma_start3A_89 : memref<104x64xf32, #tpu.memory_space<vmem>>) offsets(%dma_start3A_90 : memref<104xi32, #tpu.memory_space<vmem>>) semaphore(%arg13 : memref<!tpu.dma_semaphore, #tpu.memory_space<semaphore_mem>>)
    %multiple_of3A_94 = arith.constant 600 : i32
    %multiple_of3A_95 = tpu.assume_multiple %multiple_of3A_94, 8 : i32
    %add3A_96 = arith.constant 104 : i32
    %add3A_97 = arith.addi %multiple_of3A_95, %add3A_96 : i32
    %dma_start3A_98 = arith.constant 3 : i32
    %dma_start3A_99 = arith.constant 104 : i32
    %dma_start3A_100 = arith.constant 0 : i32
    %dma_start3A_101 = tpu.memref_slice %arg8[%dma_start3A_98, %dma_start3A_99, %dma_start3A_100] : memref<4x200x64xf32, #tpu.memory_space<vmem>> -> memref<1x96x64xf32, #tpu.memory_space<vmem>>
    %dma_start3A_102 = tpu.memref_squeeze %dma_start3A_101 : memref<1x96x64xf32, #tpu.memory_space<vmem>> -> memref<96x64xf32, #tpu.memory_space<vmem>>
    %dma_start3A_103 = tpu.memref_slice %arg7[%add3A_97] : memref<6400xi32, #tpu.memory_space<vmem>> -> memref<96xi32, #tpu.memory_space<vmem>>
    %dma_start3A_104 = arith.constant 0 : i32
    %dma_start3A_105 = arith.constant 0 : i32
    %dma_start3A_106 = tpu.memref_slice %arg3[%dma_start3A_104, %dma_start3A_105] : memref<100000x64xf32, #tpu.memory_space<hbm>> -> memref<100000x64xf32, #tpu.memory_space<hbm>>
    tpu.enqueue_indirect_dma source(%dma_start3A_106 : memref<100000x64xf32, #tpu.memory_space<hbm>>) target(%dma_start3A_102 : memref<96x64xf32, #tpu.memory_space<vmem>>) offsets(%dma_start3A_103 : memref<96xi32, #tpu.memory_space<vmem>>) semaphore(%arg13 : memref<!tpu.dma_semaphore, #tpu.memory_space<semaphore_mem>>)
    %scan3A = arith.constant 0 : i32
    %scan3A_107 = arith.constant 0 : i32
    %scan3A_108 = arith.constant 8 : i32
    %scan3A_109 = arith.addi %scan3A_107, %scan3A_108 : i32
    %scan3A_110 = arith.constant 1 : i32
    scf.for %scan3A_187 = %scan3A_107 to %scan3A_109 step %scan3A_110  : i32 {
      %mul3A_188 = arith.constant 4 : i32
      %mul3A_189 = arith.muli %scan3A_187, %mul3A_188 : i32
      %add3A_190 = arith.constant 0 : i32
      %add3A_191 = arith.addi %mul3A_189, %add3A_190 : i32
      %mul3A_192 = arith.constant 200 : i32
      %mul3A_193 = arith.muli %add3A_191, %mul3A_192 : i32
      %multiple_of3A_194 = tpu.assume_multiple %mul3A_193, 8 : i32
      %add3A_195 = arith.constant 0 : i32
      %add3A_196 = arith.addi %multiple_of3A_194, %add3A_195 : i32
      %dma_wait3A_197 = arith.constant 0 : i32
      %dma_wait3A_198 = arith.constant 0 : i32
      %dma_wait3A_199 = arith.constant 0 : i32
      %dma_wait3A_200 = tpu.memref_slice %arg8[%dma_wait3A_197, %dma_wait3A_198, %dma_wait3A_199] : memref<4x200x64xf32, #tpu.memory_space<vmem>> -> memref<1x104x64xf32, #tpu.memory_space<vmem>>
      %dma_wait3A_201 = tpu.memref_squeeze %dma_wait3A_200 : memref<1x104x64xf32, #tpu.memory_space<vmem>> -> memref<104x64xf32, #tpu.memory_space<vmem>>
      %dma_wait3A_202 = tpu.memref_slice %arg7[%add3A_196] : memref<6400xi32, #tpu.memory_space<vmem>> -> memref<104xi32, #tpu.memory_space<vmem>>
      %dma_wait3A_203 = arith.constant 0 : i32
      %dma_wait3A_204 = arith.constant 0 : i32
      %dma_wait3A_205 = tpu.memref_slice %arg3[%dma_wait3A_203, %dma_wait3A_204] : memref<100000x64xf32, #tpu.memory_space<hbm>> -> memref<100000x64xf32, #tpu.memory_space<hbm>>
      tpu.wait_indirect_dma semaphore(%arg10 : memref<!tpu.dma_semaphore, #tpu.memory_space<semaphore_mem>>) src(%dma_wait3A_205 : memref<100000x64xf32, #tpu.memory_space<hbm>>) dst(%dma_wait3A_201 : memref<104x64xf32, #tpu.memory_space<vmem>>)
      %mul3A_206 = arith.constant 200 : i32
      %mul3A_207 = arith.muli %add3A_191, %mul3A_206 : i32
      %multiple_of3A_208 = tpu.assume_multiple %mul3A_207, 8 : i32
      %add3A_209 = arith.constant 104 : i32
      %add3A_210 = arith.addi %multiple_of3A_208, %add3A_209 : i32
      %dma_wait3A_211 = arith.constant 0 : i32
      %dma_wait3A_212 = arith.constant 104 : i32
      %dma_wait3A_213 = arith.constant 0 : i32
      %dma_wait3A_214 = tpu.memref_slice %arg8[%dma_wait3A_211, %dma_wait3A_212, %dma_wait3A_213] : memref<4x200x64xf32, #tpu.memory_space<vmem>> -> memref<1x96x64xf32, #tpu.memory_space<vmem>>
      %dma_wait3A_215 = tpu.memref_squeeze %dma_wait3A_214 : memref<1x96x64xf32, #tpu.memory_space<vmem>> -> memref<96x64xf32, #tpu.memory_space<vmem>>
      %dma_wait3A_216 = tpu.memref_slice %arg7[%add3A_210] : memref<6400xi32, #tpu.memory_space<vmem>> -> memref<96xi32, #tpu.memory_space<vmem>>
      %dma_wait3A_217 = arith.constant 0 : i32
      %dma_wait3A_218 = arith.constant 0 : i32
      %dma_wait3A_219 = tpu.memref_slice %arg3[%dma_wait3A_217, %dma_wait3A_218] : memref<100000x64xf32, #tpu.memory_space<hbm>> -> memref<100000x64xf32, #tpu.memory_space<hbm>>
      tpu.wait_indirect_dma semaphore(%arg10 : memref<!tpu.dma_semaphore, #tpu.memory_space<semaphore_mem>>) src(%dma_wait3A_219 : memref<100000x64xf32, #tpu.memory_space<hbm>>) dst(%dma_wait3A_215 : memref<96x64xf32, #tpu.memory_space<vmem>>)
      %gt3A = arith.constant 0 : i32
      %gt3A_220 = arith.cmpi sgt, %scan3A_187, %gt3A : i32
      %convert_element_type3A = arith.extui %gt3A_220 : i1 to i32
      %cond3A = arith.constant 0 : i32
      %cond3A_221 = arith.cmpi ne, %convert_element_type3A, %cond3A : i32
      scf.if %cond3A_221 {
        %sub3A = arith.constant 4 : i32
        %sub3A_443 = arith.subi %add3A_191, %sub3A : i32
        %add3A_444 = arith.addi %mul3A_2, %sub3A_443 : i32
        %dma_wait3A_445 = arith.constant 0 : i32
        %dma_wait3A_446 = arith.constant 0 : i32
        %dma_wait3A_447 = arith.constant 0 : i32
        %dma_wait3A_448 = tpu.memref_slice %arg9[%dma_wait3A_445, %dma_wait3A_446, %dma_wait3A_447] : memref<4x200x64xf32, #tpu.memory_space<vmem>> -> memref<1x200x64xf32, #tpu.memory_space<vmem>>
        %dma_wait3A_449 = tpu.memref_squeeze %dma_wait3A_448 : memref<1x200x64xf32, #tpu.memory_space<vmem>> -> memref<200x64xf32, #tpu.memory_space<vmem>>
        %dma_wait3A_450 = arith.constant 0 : i32
        %dma_wait3A_451 = arith.constant 0 : i32
        %dma_wait3A_452 = tpu.memref_slice %arg5[%add3A_444, %dma_wait3A_450, %dma_wait3A_451] : memref<1024x200x64xf32, #tpu.memory_space<hbm>> -> memref<1x200x64xf32, #tpu.memory_space<hbm>>
        %dma_wait3A_453 = tpu.memref_squeeze %dma_wait3A_452 : memref<1x200x64xf32, #tpu.memory_space<hbm>> -> memref<200x64xf32, #tpu.memory_space<hbm>>
        %dma_wait3A_454 = arith.constant 0 : i32
        %dma_wait3A_455 = arith.constant 0 : i32
        %dma_wait3A_456 = tpu.memref_slice %arg5[%add3A_444, %dma_wait3A_454, %dma_wait3A_455] : memref<1024x200x64xf32, #tpu.memory_space<hbm>> -> memref<1x200x64xf32, #tpu.memory_space<hbm>>
        %dma_wait3A_457 = tpu.memref_squeeze %dma_wait3A_456 : memref<1x200x64xf32, #tpu.memory_space<hbm>> -> memref<200x64xf32, #tpu.memory_space<hbm>>
        %dma_wait3A_458 = arith.constant 0 : i32
        %dma_wait3A_459 = arith.constant 0 : i32
        %dma_wait3A_460 = tpu.memref_slice %arg9[%dma_wait3A_445, %dma_wait3A_458, %dma_wait3A_459] : memref<4x200x64xf32, #tpu.memory_space<vmem>> -> memref<1x200x64xf32, #tpu.memory_space<vmem>>
        %dma_wait3A_461 = tpu.memref_squeeze %dma_wait3A_460 : memref<1x200x64xf32, #tpu.memory_space<vmem>> -> memref<200x64xf32, #tpu.memory_space<vmem>>
        tpu.wait_dma2 semaphore(%arg14 : memref<!tpu.dma_semaphore, #tpu.memory_space<semaphore_mem>>) src(%dma_wait3A_461 : memref<200x64xf32, #tpu.memory_space<vmem>>) dst(%dma_wait3A_457 : memref<200x64xf32, #tpu.memory_space<hbm>>)
      } else {
      }
      %parallel_loop3A = arith.constant 0 : i32
      %parallel_loop3A_222 = arith.constant 200 : i32
      %parallel_loop3A_223 = arith.constant 1 : i32
      scf.for %parallel_loop3A_443 = %parallel_loop3A to %parallel_loop3A_222 step %parallel_loop3A_223  : i32 {
        %parallel_loop3A_444 = arith.constant 0 : i32
        %parallel_loop3A_445 = arith.index_cast %parallel_loop3A_444 : i32 to index
        %parallel_loop3A_446 = arith.index_cast %parallel_loop3A_443 : i32 to index
        %parallel_loop3A_447 = arith.constant 0 : index
        %parallel_loop3A_448 = tpu.vector_load %arg8[%parallel_loop3A_445, %parallel_loop3A_446, %parallel_loop3A_447] {strides = array<i32>} : memref<4x200x64xf32, #tpu.memory_space<vmem>>, vector<1x1x16xf32>,
        %parallel_loop3A_449 = vector.shape_cast %parallel_loop3A_448 : vector<1x1x16xf32> to vector<16xf32>
        %parallel_loop3A_450 = arith.constant 8.000000e+00 : f32
        %parallel_loop3A_451 = vector.broadcast %parallel_loop3A_450 : f32 to vector<16xf32>
        %parallel_loop3A_452 = arith.mulf %parallel_loop3A_449, %parallel_loop3A_451 : vector<16xf32>
        %parallel_loop3A_453 = arith.constant 64 : i32
        %parallel_loop3A_454 = arith.muli %parallel_loop3A_443, %parallel_loop3A_453 : i32
        %parallel_loop3A_455 = arith.constant 0 : i32
        %parallel_loop3A_456 = arith.addi %parallel_loop3A_454, %parallel_loop3A_455 : i32
        %parallel_loop3A_457 = arith.index_cast %parallel_loop3A_456 : i32 to index
        %parallel_loop3A_458 = tpu.vector_load %arg6[%parallel_loop3A_457] {strides = array<i32>} : memref<12800xf32, #tpu.memory_space<vmem>>, vector<16xf32>,
        %parallel_loop3A_459 = vector.shape_cast %parallel_loop3A_458 : vector<16xf32> to vector<16xf32>
        %parallel_loop3A_460 = arith.addf %parallel_loop3A_452, %parallel_loop3A_459 : vector<16xf32>
        %parallel_loop3A_461 = arith.constant 0 : i32
        %parallel_loop3A_462 = arith.index_cast %parallel_loop3A_461 : i32 to index
        %parallel_loop3A_463 = arith.index_cast %parallel_loop3A_443 : i32 to index
        %parallel_loop3A_464 = arith.constant 0 : index
        %parallel_loop3A_465 = tpu.vector_load %arg9[%parallel_loop3A_462, %parallel_loop3A_463, %parallel_loop3A_464] {strides = array<i32>} : memref<4x200x64xf32, #tpu.memory_space<vmem>>, vector<1x1x16xf32>,
        %parallel_loop3A_466 = vector.shape_cast %parallel_loop3A_465 : vector<1x1x16xf32> to vector<16xf32>
        %parallel_loop3A_467 = vector.shape_cast %parallel_loop3A_460 : vector<16xf32> to vector<1x1x16xf32>
        tpu.vector_store %arg9[%parallel_loop3A_462, %parallel_loop3A_463, %parallel_loop3A_464], %parallel_loop3A_467 {strides = array<i32>} : memref<4x200x64xf32, #tpu.memory_space<vmem>>, vector<1x1x16xf32>,
        %parallel_loop3A_468 = arith.constant 0 : i32
        %parallel_loop3A_469 = arith.index_cast %parallel_loop3A_468 : i32 to index
        %parallel_loop3A_470 = arith.index_cast %parallel_loop3A_443 : i32 to index
        %parallel_loop3A_471 = arith.constant 16 : index
        %parallel_loop3A_472 = tpu.vector_load %arg8[%parallel_loop3A_469, %parallel_loop3A_470, %parallel_loop3A_471] {strides = array<i32>} : memref<4x200x64xf32, #tpu.memory_space<vmem>>, vector<1x1x16xf32>,
        %parallel_loop3A_473 = vector.shape_cast %parallel_loop3A_472 : vector<1x1x16xf32> to vector<16xf32>
        %parallel_loop3A_474 = arith.constant 8.000000e+00 : f32
        %parallel_loop3A_475 = vector.broadcast %parallel_loop3A_474 : f32 to vector<16xf32>
        %parallel_loop3A_476 = arith.mulf %parallel_loop3A_473, %parallel_loop3A_475 : vector<16xf32>
        %parallel_loop3A_477 = arith.constant 64 : i32
        %parallel_loop3A_478 = arith.muli %parallel_loop3A_443, %parallel_loop3A_477 : i32
        %parallel_loop3A_479 = arith.constant 16 : i32
        %parallel_loop3A_480 = arith.addi %parallel_loop3A_478, %parallel_loop3A_479 : i32
        %parallel_loop3A_481 = arith.index_cast %parallel_loop3A_480 : i32 to index
        %parallel_loop3A_482 = tpu.vector_load %arg6[%parallel_loop3A_481] {strides = array<i32>} : memref<12800xf32, #tpu.memory_space<vmem>>, vector<16xf32>,
        %parallel_loop3A_483 = vector.shape_cast %parallel_loop3A_482 : vector<16xf32> to vector<16xf32>
        %parallel_loop3A_484 = arith.addf %parallel_loop3A_476, %parallel_loop3A_483 : vector<16xf32>
        %parallel_loop3A_485 = arith.constant 0 : i32
        %parallel_loop3A_486 = arith.index_cast %parallel_loop3A_485 : i32 to index
        %parallel_loop3A_487 = arith.index_cast %parallel_loop3A_443 : i32 to index
        %parallel_loop3A_488 = arith.constant 16 : index
        %parallel_loop3A_489 = tpu.vector_load %arg9[%parallel_loop3A_486, %parallel_loop3A_487, %parallel_loop3A_488] {strides = array<i32>} : memref<4x200x64xf32, #tpu.memory_space<vmem>>, vector<1x1x16xf32>,
        %parallel_loop3A_490 = vector.shape_cast %parallel_loop3A_489 : vector<1x1x16xf32> to vector<16xf32>
        %parallel_loop3A_491 = vector.shape_cast %parallel_loop3A_484 : vector<16xf32> to vector<1x1x16xf32>
        tpu.vector_store %arg9[%parallel_loop3A_486, %parallel_loop3A_487, %parallel_loop3A_488], %parallel_loop3A_491 {strides = array<i32>} : memref<4x200x64xf32, #tpu.memory_space<vmem>>, vector<1x1x16xf32>,
        %parallel_loop3A_492 = arith.constant 0 : i32
        %parallel_loop3A_493 = arith.index_cast %parallel_loop3A_492 : i32 to index
        %parallel_loop3A_494 = arith.index_cast %parallel_loop3A_443 : i32 to index
        %parallel_loop3A_495 = arith.constant 32 : index
        %parallel_loop3A_496 = tpu.vector_load %arg8[%parallel_loop3A_493, %parallel_loop3A_494, %parallel_loop3A_495] {strides = array<i32>} : memref<4x200x64xf32, #tpu.memory_space<vmem>>, vector<1x1x16xf32>,
        %parallel_loop3A_497 = vector.shape_cast %parallel_loop3A_496 : vector<1x1x16xf32> to vector<16xf32>
        %parallel_loop3A_498 = arith.constant 8.000000e+00 : f32
        %parallel_loop3A_499 = vector.broadcast %parallel_loop3A_498 : f32 to vector<16xf32>
        %parallel_loop3A_500 = arith.mulf %parallel_loop3A_497, %parallel_loop3A_499 : vector<16xf32>
        %parallel_loop3A_501 = arith.constant 64 : i32
        %parallel_loop3A_502 = arith.muli %parallel_loop3A_443, %parallel_loop3A_501 : i32
        %parallel_loop3A_503 = arith.constant 32 : i32
        %parallel_loop3A_504 = arith.addi %parallel_loop3A_502, %parallel_loop3A_503 : i32
        %parallel_loop3A_505 = arith.index_cast %parallel_loop3A_504 : i32 to index
        %parallel_loop3A_506 = tpu.vector_load %arg6[%parallel_loop3A_505] {strides = array<i32>} : memref<12800xf32, #tpu.memory_space<vmem>>, vector<16xf32>,
        %parallel_loop3A_507 = vector.shape_cast %parallel_loop3A_506 : vector<16xf32> to vector<16xf32>
        %parallel_loop3A_508 = arith.addf %parallel_loop3A_500, %parallel_loop3A_507 : vector<16xf32>
        %parallel_loop3A_509 = arith.constant 0 : i32
        %parallel_loop3A_510 = arith.index_cast %parallel_loop3A_509 : i32 to index
        %parallel_loop3A_511 = arith.index_cast %parallel_loop3A_443 : i32 to index
        %parallel_loop3A_512 = arith.constant 32 : index
        %parallel_loop3A_513 = tpu.vector_load %arg9[%parallel_loop3A_510, %parallel_loop3A_511, %parallel_loop3A_512] {strides = array<i32>} : memref<4x200x64xf32, #tpu.memory_space<vmem>>, vector<1x1x16xf32>,
        %parallel_loop3A_514 = vector.shape_cast %parallel_loop3A_513 : vector<1x1x16xf32> to vector<16xf32>
        %parallel_loop3A_515 = vector.shape_cast %parallel_loop3A_508 : vector<16xf32> to vector<1x1x16xf32>
        tpu.vector_store %arg9[%parallel_loop3A_510, %parallel_loop3A_511, %parallel_loop3A_512], %parallel_loop3A_515 {strides = array<i32>} : memref<4x200x64xf32, #tpu.memory_space<vmem>>, vector<1x1x16xf32>,
        %parallel_loop3A_516 = arith.constant 0 : i32
        %parallel_loop3A_517 = arith.index_cast %parallel_loop3A_516 : i32 to index
        %parallel_loop3A_518 = arith.index_cast %parallel_loop3A_443 : i32 to index
        %parallel_loop3A_519 = arith.constant 48 : index
        %parallel_loop3A_520 = tpu.vector_load %arg8[%parallel_loop3A_517, %parallel_loop3A_518, %parallel_loop3A_519] {strides = array<i32>} : memref<4x200x64xf32, #tpu.memory_space<vmem>>, vector<1x1x16xf32>,
        %parallel_loop3A_521 = vector.shape_cast %parallel_loop3A_520 : vector<1x1x16xf32> to vector<16xf32>
        %parallel_loop3A_522 = arith.constant 8.000000e+00 : f32
        %parallel_loop3A_523 = vector.broadcast %parallel_loop3A_522 : f32 to vector<16xf32>
        %parallel_loop3A_524 = arith.mulf %parallel_loop3A_521, %parallel_loop3A_523 : vector<16xf32>
        %parallel_loop3A_525 = arith.constant 64 : i32
        %parallel_loop3A_526 = arith.muli %parallel_loop3A_443, %parallel_loop3A_525 : i32
        %parallel_loop3A_527 = arith.constant 48 : i32
        %parallel_loop3A_528 = arith.addi %parallel_loop3A_526, %parallel_loop3A_527 : i32
        %parallel_loop3A_529 = arith.index_cast %parallel_loop3A_528 : i32 to index
        %parallel_loop3A_530 = tpu.vector_load %arg6[%parallel_loop3A_529] {strides = array<i32>} : memref<12800xf32, #tpu.memory_space<vmem>>, vector<16xf32>,
        %parallel_loop3A_531 = vector.shape_cast %parallel_loop3A_530 : vector<16xf32> to vector<16xf32>
        %parallel_loop3A_532 = arith.addf %parallel_loop3A_524, %parallel_loop3A_531 : vector<16xf32>
        %parallel_loop3A_533 = arith.constant 0 : i32
        %parallel_loop3A_534 = arith.index_cast %parallel_loop3A_533 : i32 to index
        %parallel_loop3A_535 = arith.index_cast %parallel_loop3A_443 : i32 to index
        %parallel_loop3A_536 = arith.constant 48 : index
        %parallel_loop3A_537 = tpu.vector_load %arg9[%parallel_loop3A_534, %parallel_loop3A_535, %parallel_loop3A_536] {strides = array<i32>} : memref<4x200x64xf32, #tpu.memory_space<vmem>>, vector<1x1x16xf32>,
        %parallel_loop3A_538 = vector.shape_cast %parallel_loop3A_537 : vector<1x1x16xf32> to vector<16xf32>
        %parallel_loop3A_539 = vector.shape_cast %parallel_loop3A_532 : vector<16xf32> to vector<1x1x16xf32>
        tpu.vector_store %arg9[%parallel_loop3A_534, %parallel_loop3A_535, %parallel_loop3A_536], %parallel_loop3A_539 {strides = array<i32>} : memref<4x200x64xf32, #tpu.memory_space<vmem>>, vector<1x1x16xf32>,
      } {sc.loop_unroll_factor = 8 : i64, sc.parallel_access}
      %add3A_224 = arith.constant 1 : i32
      %add3A_225 = arith.addi %scan3A_187, %add3A_224 : i32
      %lt3A = arith.constant 8 : i32
      %lt3A_226 = arith.cmpi slt, %add3A_225, %lt3A : i32
      %convert_element_type3A_227 = arith.extui %lt3A_226 : i1 to i32
      %cond3A_228 = arith.constant 0 : i32
      %cond3A_229 = arith.cmpi ne, %convert_element_type3A_227, %cond3A_228 : i32
      scf.if %cond3A_229 {
        %add3A_443 = arith.constant 4 : i32
        %add3A_444 = arith.addi %add3A_191, %add3A_443 : i32
        %mul3A_445 = arith.constant 200 : i32
        %mul3A_446 = arith.muli %add3A_444, %mul3A_445 : i32
        %multiple_of3A_447 = tpu.assume_multiple %mul3A_446, 8 : i32
        %add3A_448 = arith.constant 0 : i32
        %add3A_449 = arith.addi %multiple_of3A_447, %add3A_448 : i32
        %dma_start3A_450 = arith.constant 0 : i32
        %dma_start3A_451 = arith.constant 0 : i32
        %dma_start3A_452 = arith.constant 0 : i32
        %dma_start3A_453 = tpu.memref_slice %arg8[%dma_start3A_450, %dma_start3A_451, %dma_start3A_452] : memref<4x200x64xf32, #tpu.memory_space<vmem>> -> memref<1x104x64xf32, #tpu.memory_space<vmem>>
        %dma_start3A_454 = tpu.memref_squeeze %dma_start3A_453 : memref<1x104x64xf32, #tpu.memory_space<vmem>> -> memref<104x64xf32, #tpu.memory_space<vmem>>
        %dma_start3A_455 = tpu.memref_slice %arg7[%add3A_449] : memref<6400xi32, #tpu.memory_space<vmem>> -> memref<104xi32, #tpu.memory_space<vmem>>
        %dma_start3A_456 = arith.constant 0 : i32
        %dma_start3A_457 = arith.constant 0 : i32
        %dma_start3A_458 = tpu.memref_slice %arg3[%dma_start3A_456, %dma_start3A_457] : memref<100000x64xf32, #tpu.memory_space<hbm>> -> memref<100000x64xf32, #tpu.memory_space<hbm>>
        tpu.enqueue_indirect_dma source(%dma_start3A_458 : memref<100000x64xf32, #tpu.memory_space<hbm>>) target(%dma_start3A_454 : memref<104x64xf32, #tpu.memory_space<vmem>>) offsets(%dma_start3A_455 : memref<104xi32, #tpu.memory_space<vmem>>) semaphore(%arg10 : memref<!tpu.dma_semaphore, #tpu.memory_space<semaphore_mem>>)
        %add3A_459 = arith.constant 4 : i32
        %add3A_460 = arith.addi %add3A_191, %add3A_459 : i32
        %mul3A_461 = arith.constant 200 : i32
        %mul3A_462 = arith.muli %add3A_460, %mul3A_461 : i32
        %multiple_of3A_463 = tpu.assume_multiple %mul3A_462, 8 : i32
        %add3A_464 = arith.constant 104 : i32
        %add3A_465 = arith.addi %multiple_of3A_463, %add3A_464 : i32
        %dma_start3A_466 = arith.constant 0 : i32
        %dma_start3A_467 = arith.constant 104 : i32
        %dma_start3A_468 = arith.constant 0 : i32
        %dma_start3A_469 = tpu.memref_slice %arg8[%dma_start3A_466, %dma_start3A_467, %dma_start3A_468] : memref<4x200x64xf32, #tpu.memory_space<vmem>> -> memref<1x96x64xf32, #tpu.memory_space<vmem>>
        %dma_start3A_470 = tpu.memref_squeeze %dma_start3A_469 : memref<1x96x64xf32, #tpu.memory_space<vmem>> -> memref<96x64xf32, #tpu.memory_space<vmem>>
        %dma_start3A_471 = tpu.memref_slice %arg7[%add3A_465] : memref<6400xi32, #tpu.memory_space<vmem>> -> memref<96xi32, #tpu.memory_space<vmem>>
        %dma_start3A_472 = arith.constant 0 : i32
        %dma_start3A_473 = arith.constant 0 : i32
        %dma_start3A_474 = tpu.memref_slice %arg3[%dma_start3A_472, %dma_start3A_473] : memref<100000x64xf32, #tpu.memory_space<hbm>> -> memref<100000x64xf32, #tpu.memory_space<hbm>>
        tpu.enqueue_indirect_dma source(%dma_start3A_474 : memref<100000x64xf32, #tpu.memory_space<hbm>>) target(%dma_start3A_470 : memref<96x64xf32, #tpu.memory_space<vmem>>) offsets(%dma_start3A_471 : memref<96xi32, #tpu.memory_space<vmem>>) semaphore(%arg10 : memref<!tpu.dma_semaphore, #tpu.memory_space<semaphore_mem>>)
      } else {
      }
      %add3A_230 = arith.addi %mul3A_2, %add3A_191 : i32
      %dma_start3A_231 = arith.constant 0 : i32
      %dma_start3A_232 = arith.constant 0 : i32
      %dma_start3A_233 = arith.constant 0 : i32
      %dma_start3A_234 = tpu.memref_slice %arg9[%dma_start3A_231, %dma_start3A_232, %dma_start3A_233] : memref<4x200x64xf32, #tpu.memory_space<vmem>> -> memref<1x200x64xf32, #tpu.memory_space<vmem>>
      %dma_start3A_235 = tpu.memref_squeeze %dma_start3A_234 : memref<1x200x64xf32, #tpu.memory_space<vmem>> -> memref<200x64xf32, #tpu.memory_space<vmem>>
      %dma_start3A_236 = arith.constant 0 : i32
      %dma_start3A_237 = arith.constant 0 : i32
      %dma_start3A_238 = tpu.memref_slice %arg5[%add3A_230, %dma_start3A_236, %dma_start3A_237] : memref<1024x200x64xf32, #tpu.memory_space<hbm>> -> memref<1x200x64xf32, #tpu.memory_space<hbm>>
      %dma_start3A_239 = tpu.memref_squeeze %dma_start3A_238 : memref<1x200x64xf32, #tpu.memory_space<hbm>> -> memref<200x64xf32, #tpu.memory_space<hbm>>
      %dma_start3A_240 = arith.constant 0 : i32
      %dma_start3A_241 = arith.constant 0 : i32
      %dma_start3A_242 = tpu.memref_slice %arg5[%add3A_230, %dma_start3A_240, %dma_start3A_241] : memref<1024x200x64xf32, #tpu.memory_space<hbm>> -> memref<1x200x64xf32, #tpu.memory_space<hbm>>
      %dma_start3A_243 = tpu.memref_squeeze %dma_start3A_242 : memref<1x200x64xf32, #tpu.memory_space<hbm>> -> memref<200x64xf32, #tpu.memory_space<hbm>>
      %dma_start3A_244 = arith.constant 0 : i32
      %dma_start3A_245 = arith.constant 0 : i32
      %dma_start3A_246 = tpu.memref_slice %arg9[%dma_start3A_231, %dma_start3A_244, %dma_start3A_245] : memref<4x200x64xf32, #tpu.memory_space<vmem>> -> memref<1x200x64xf32, #tpu.memory_space<vmem>>
      %dma_start3A_247 = tpu.memref_squeeze %dma_start3A_246 : memref<1x200x64xf32, #tpu.memory_space<vmem>> -> memref<200x64xf32, #tpu.memory_space<vmem>>
      tpu.enqueue_dma source(%dma_start3A_247 : memref<200x64xf32, #tpu.memory_space<vmem>>) target(%dma_start3A_243 : memref<200x64xf32, #tpu.memory_space<hbm>>) target_semaphore(%arg14 : memref<!tpu.dma_semaphore, #tpu.memory_space<semaphore_mem>>)
      %mul3A_248 = arith.constant 4 : i32
      %mul3A_249 = arith.muli %scan3A_187, %mul3A_248 : i32
      %add3A_250 = arith.constant 1 : i32
      %add3A_251 = arith.addi %mul3A_249, %add3A_250 : i32
      %mul3A_252 = arith.constant 200 : i32
      %mul3A_253 = arith.muli %add3A_251, %mul3A_252 : i32
      %multiple_of3A_254 = tpu.assume_multiple %mul3A_253, 8 : i32
      %add3A_255 = arith.constant 0 : i32
      %add3A_256 = arith.addi %multiple_of3A_254, %add3A_255 : i32
      %dma_wait3A_257 = arith.constant 1 : i32
      %dma_wait3A_258 = arith.constant 0 : i32
      %dma_wait3A_259 = arith.constant 0 : i32
      %dma_wait3A_260 = tpu.memref_slice %arg8[%dma_wait3A_257, %dma_wait3A_258, %dma_wait3A_259] : memref<4x200x64xf32, #tpu.memory_space<vmem>> -> memref<1x104x64xf32, #tpu.memory_space<vmem>>
      %dma_wait3A_261 = tpu.memref_squeeze %dma_wait3A_260 : memref<1x104x64xf32, #tpu.memory_space<vmem>> -> memref<104x64xf32, #tpu.memory_space<vmem>>
      %dma_wait3A_262 = tpu.memref_slice %arg7[%add3A_256] : memref<6400xi32, #tpu.memory_space<vmem>> -> memref<104xi32, #tpu.memory_space<vmem>>
      %dma_wait3A_263 = arith.constant 0 : i32
      %dma_wait3A_264 = arith.constant 0 : i32
      %dma_wait3A_265 = tpu.memref_slice %arg3[%dma_wait3A_263, %dma_wait3A_264] : memref<100000x64xf32, #tpu.memory_space<hbm>> -> memref<100000x64xf32, #tpu.memory_space<hbm>>
      tpu.wait_indirect_dma semaphore(%arg11 : memref<!tpu.dma_semaphore, #tpu.memory_space<semaphore_mem>>) src(%dma_wait3A_265 : memref<100000x64xf32, #tpu.memory_space<hbm>>) dst(%dma_wait3A_261 : memref<104x64xf32, #tpu.memory_space<vmem>>)
      %mul3A_266 = arith.constant 200 : i32
      %mul3A_267 = arith.muli %add3A_251, %mul3A_266 : i32
      %multiple_of3A_268 = tpu.assume_multiple %mul3A_267, 8 : i32
      %add3A_269 = arith.constant 104 : i32
      %add3A_270 = arith.addi %multiple_of3A_268, %add3A_269 : i32
      %dma_wait3A_271 = arith.constant 1 : i32
      %dma_wait3A_272 = arith.constant 104 : i32
      %dma_wait3A_273 = arith.constant 0 : i32
      %dma_wait3A_274 = tpu.memref_slice %arg8[%dma_wait3A_271, %dma_wait3A_272, %dma_wait3A_273] : memref<4x200x64xf32, #tpu.memory_space<vmem>> -> memref<1x96x64xf32, #tpu.memory_space<vmem>>
      %dma_wait3A_275 = tpu.memref_squeeze %dma_wait3A_274 : memref<1x96x64xf32, #tpu.memory_space<vmem>> -> memref<96x64xf32, #tpu.memory_space<vmem>>
      %dma_wait3A_276 = tpu.memref_slice %arg7[%add3A_270] : memref<6400xi32, #tpu.memory_space<vmem>> -> memref<96xi32, #tpu.memory_space<vmem>>
      %dma_wait3A_277 = arith.constant 0 : i32
      %dma_wait3A_278 = arith.constant 0 : i32
      %dma_wait3A_279 = tpu.memref_slice %arg3[%dma_wait3A_277, %dma_wait3A_278] : memref<100000x64xf32, #tpu.memory_space<hbm>> -> memref<100000x64xf32, #tpu.memory_space<hbm>>
      tpu.wait_indirect_dma semaphore(%arg11 : memref<!tpu.dma_semaphore, #tpu.memory_space<semaphore_mem>>) src(%dma_wait3A_279 : memref<100000x64xf32, #tpu.memory_space<hbm>>) dst(%dma_wait3A_275 : memref<96x64xf32, #tpu.memory_space<vmem>>)
      %gt3A_280 = arith.constant 0 : i32
      %gt3A_281 = arith.cmpi sgt, %scan3A_187, %gt3A_280 : i32
      %convert_element_type3A_282 = arith.extui %gt3A_281 : i1 to i32
      %cond3A_283 = arith.constant 0 : i32
      %cond3A_284 = arith.cmpi ne, %convert_element_type3A_282, %cond3A_283 : i32
      scf.if %cond3A_284 {
        %sub3A = arith.constant 4 : i32
        %sub3A_443 = arith.subi %add3A_251, %sub3A : i32
        %add3A_444 = arith.addi %mul3A_2, %sub3A_443 : i32
        %dma_wait3A_445 = arith.constant 1 : i32
        %dma_wait3A_446 = arith.constant 0 : i32
        %dma_wait3A_447 = arith.constant 0 : i32
        %dma_wait3A_448 = tpu.memref_slice %arg9[%dma_wait3A_445, %dma_wait3A_446, %dma_wait3A_447] : memref<4x200x64xf32, #tpu.memory_space<vmem>> -> memref<1x200x64xf32, #tpu.memory_space<vmem>>
        %dma_wait3A_449 = tpu.memref_squeeze %dma_wait3A_448 : memref<1x200x64xf32, #tpu.memory_space<vmem>> -> memref<200x64xf32, #tpu.memory_space<vmem>>
        %dma_wait3A_450 = arith.constant 0 : i32
        %dma_wait3A_451 = arith.constant 0 : i32
        %dma_wait3A_452 = tpu.memref_slice %arg5[%add3A_444, %dma_wait3A_450, %dma_wait3A_451] : memref<1024x200x64xf32, #tpu.memory_space<hbm>> -> memref<1x200x64xf32, #tpu.memory_space<hbm>>
        %dma_wait3A_453 = tpu.memref_squeeze %dma_wait3A_452 : memref<1x200x64xf32, #tpu.memory_space<hbm>> -> memref<200x64xf32, #tpu.memory_space<hbm>>
        %dma_wait3A_454 = arith.constant 0 : i32
        %dma_wait3A_455 = arith.constant 0 : i32
        %dma_wait3A_456 = tpu.memref_slice %arg5[%add3A_444, %dma_wait3A_454, %dma_wait3A_455] : memref<1024x200x64xf32, #tpu.memory_space<hbm>> -> memref<1x200x64xf32, #tpu.memory_space<hbm>>
        %dma_wait3A_457 = tpu.memref_squeeze %dma_wait3A_456 : memref<1x200x64xf32, #tpu.memory_space<hbm>> -> memref<200x64xf32, #tpu.memory_space<hbm>>
        %dma_wait3A_458 = arith.constant 0 : i32
        %dma_wait3A_459 = arith.constant 0 : i32
        %dma_wait3A_460 = tpu.memref_slice %arg9[%dma_wait3A_445, %dma_wait3A_458, %dma_wait3A_459] : memref<4x200x64xf32, #tpu.memory_space<vmem>> -> memref<1x200x64xf32, #tpu.memory_space<vmem>>
        %dma_wait3A_461 = tpu.memref_squeeze %dma_wait3A_460 : memref<1x200x64xf32, #tpu.memory_space<vmem>> -> memref<200x64xf32, #tpu.memory_space<vmem>>
        tpu.wait_dma2 semaphore(%arg15 : memref<!tpu.dma_semaphore, #tpu.memory_space<semaphore_mem>>) src(%dma_wait3A_461 : memref<200x64xf32, #tpu.memory_space<vmem>>) dst(%dma_wait3A_457 : memref<200x64xf32, #tpu.memory_space<hbm>>)
      } else {
      }
      %parallel_loop3A_285 = arith.constant 0 : i32
      %parallel_loop3A_286 = arith.constant 200 : i32
      %parallel_loop3A_287 = arith.constant 1 : i32
      scf.for %parallel_loop3A_443 = %parallel_loop3A_285 to %parallel_loop3A_286 step %parallel_loop3A_287  : i32 {
        %parallel_loop3A_444 = arith.constant 1 : i32
        %parallel_loop3A_445 = arith.index_cast %parallel_loop3A_444 : i32 to index
        %parallel_loop3A_446 = arith.index_cast %parallel_loop3A_443 : i32 to index
        %parallel_loop3A_447 = arith.constant 0 : index
        %parallel_loop3A_448 = tpu.vector_load %arg8[%parallel_loop3A_445, %parallel_loop3A_446, %parallel_loop3A_447] {strides = array<i32>} : memref<4x200x64xf32, #tpu.memory_space<vmem>>, vector<1x1x16xf32>,
        %parallel_loop3A_449 = vector.shape_cast %parallel_loop3A_448 : vector<1x1x16xf32> to vector<16xf32>
        %parallel_loop3A_450 = arith.constant 8.000000e+00 : f32
        %parallel_loop3A_451 = vector.broadcast %parallel_loop3A_450 : f32 to vector<16xf32>
        %parallel_loop3A_452 = arith.mulf %parallel_loop3A_449, %parallel_loop3A_451 : vector<16xf32>
        %parallel_loop3A_453 = arith.constant 64 : i32
        %parallel_loop3A_454 = arith.muli %parallel_loop3A_443, %parallel_loop3A_453 : i32
        %parallel_loop3A_455 = arith.constant 0 : i32
        %parallel_loop3A_456 = arith.addi %parallel_loop3A_454, %parallel_loop3A_455 : i32
        %parallel_loop3A_457 = arith.index_cast %parallel_loop3A_456 : i32 to index
        %parallel_loop3A_458 = tpu.vector_load %arg6[%parallel_loop3A_457] {strides = array<i32>} : memref<12800xf32, #tpu.memory_space<vmem>>, vector<16xf32>,
        %parallel_loop3A_459 = vector.shape_cast %parallel_loop3A_458 : vector<16xf32> to vector<16xf32>
        %parallel_loop3A_460 = arith.addf %parallel_loop3A_452, %parallel_loop3A_459 : vector<16xf32>
        %parallel_loop3A_461 = arith.constant 1 : i32
        %parallel_loop3A_462 = arith.index_cast %parallel_loop3A_461 : i32 to index
        %parallel_loop3A_463 = arith.index_cast %parallel_loop3A_443 : i32 to index
        %parallel_loop3A_464 = arith.constant 0 : index
        %parallel_loop3A_465 = tpu.vector_load %arg9[%parallel_loop3A_462, %parallel_loop3A_463, %parallel_loop3A_464] {strides = array<i32>} : memref<4x200x64xf32, #tpu.memory_space<vmem>>, vector<1x1x16xf32>,
        %parallel_loop3A_466 = vector.shape_cast %parallel_loop3A_465 : vector<1x1x16xf32> to vector<16xf32>
        %parallel_loop3A_467 = vector.shape_cast %parallel_loop3A_460 : vector<16xf32> to vector<1x1x16xf32>
        tpu.vector_store %arg9[%parallel_loop3A_462, %parallel_loop3A_463, %parallel_loop3A_464], %parallel_loop3A_467 {strides = array<i32>} : memref<4x200x64xf32, #tpu.memory_space<vmem>>, vector<1x1x16xf32>,
        %parallel_loop3A_468 = arith.constant 1 : i32
        %parallel_loop3A_469 = arith.index_cast %parallel_loop3A_468 : i32 to index
        %parallel_loop3A_470 = arith.index_cast %parallel_loop3A_443 : i32 to index
        %parallel_loop3A_471 = arith.constant 16 : index
        %parallel_loop3A_472 = tpu.vector_load %arg8[%parallel_loop3A_469, %parallel_loop3A_470, %parallel_loop3A_471] {strides = array<i32>} : memref<4x200x64xf32, #tpu.memory_space<vmem>>, vector<1x1x16xf32>,
        %parallel_loop3A_473 = vector.shape_cast %parallel_loop3A_472 : vector<1x1x16xf32> to vector<16xf32>
        %parallel_loop3A_474 = arith.constant 8.000000e+00 : f32
        %parallel_loop3A_475 = vector.broadcast %parallel_loop3A_474 : f32 to vector<16xf32>
        %parallel_loop3A_476 = arith.mulf %parallel_loop3A_473, %parallel_loop3A_475 : vector<16xf32>
        %parallel_loop3A_477 = arith.constant 64 : i32
        %parallel_loop3A_478 = arith.muli %parallel_loop3A_443, %parallel_loop3A_477 : i32
        %parallel_loop3A_479 = arith.constant 16 : i32
        %parallel_loop3A_480 = arith.addi %parallel_loop3A_478, %parallel_loop3A_479 : i32
        %parallel_loop3A_481 = arith.index_cast %parallel_loop3A_480 : i32 to index
        %parallel_loop3A_482 = tpu.vector_load %arg6[%parallel_loop3A_481] {strides = array<i32>} : memref<12800xf32, #tpu.memory_space<vmem>>, vector<16xf32>,
        %parallel_loop3A_483 = vector.shape_cast %parallel_loop3A_482 : vector<16xf32> to vector<16xf32>
        %parallel_loop3A_484 = arith.addf %parallel_loop3A_476, %parallel_loop3A_483 : vector<16xf32>
        %parallel_loop3A_485 = arith.constant 1 : i32
        %parallel_loop3A_486 = arith.index_cast %parallel_loop3A_485 : i32 to index
        %parallel_loop3A_487 = arith.index_cast %parallel_loop3A_443 : i32 to index
        %parallel_loop3A_488 = arith.constant 16 : index
        %parallel_loop3A_489 = tpu.vector_load %arg9[%parallel_loop3A_486, %parallel_loop3A_487, %parallel_loop3A_488] {strides = array<i32>} : memref<4x200x64xf32, #tpu.memory_space<vmem>>, vector<1x1x16xf32>,
        %parallel_loop3A_490 = vector.shape_cast %parallel_loop3A_489 : vector<1x1x16xf32> to vector<16xf32>
        %parallel_loop3A_491 = vector.shape_cast %parallel_loop3A_484 : vector<16xf32> to vector<1x1x16xf32>
        tpu.vector_store %arg9[%parallel_loop3A_486, %parallel_loop3A_487, %parallel_loop3A_488], %parallel_loop3A_491 {strides = array<i32>} : memref<4x200x64xf32, #tpu.memory_space<vmem>>, vector<1x1x16xf32>,
        %parallel_loop3A_492 = arith.constant 1 : i32
        %parallel_loop3A_493 = arith.index_cast %parallel_loop3A_492 : i32 to index
        %parallel_loop3A_494 = arith.index_cast %parallel_loop3A_443 : i32 to index
        %parallel_loop3A_495 = arith.constant 32 : index
        %parallel_loop3A_496 = tpu.vector_load %arg8[%parallel_loop3A_493, %parallel_loop3A_494, %parallel_loop3A_495] {strides = array<i32>} : memref<4x200x64xf32, #tpu.memory_space<vmem>>, vector<1x1x16xf32>,
        %parallel_loop3A_497 = vector.shape_cast %parallel_loop3A_496 : vector<1x1x16xf32> to vector<16xf32>
        %parallel_loop3A_498 = arith.constant 8.000000e+00 : f32
        %parallel_loop3A_499 = vector.broadcast %parallel_loop3A_498 : f32 to vector<16xf32>
        %parallel_loop3A_500 = arith.mulf %parallel_loop3A_497, %parallel_loop3A_499 : vector<16xf32>
        %parallel_loop3A_501 = arith.constant 64 : i32
        %parallel_loop3A_502 = arith.muli %parallel_loop3A_443, %parallel_loop3A_501 : i32
        %parallel_loop3A_503 = arith.constant 32 : i32
        %parallel_loop3A_504 = arith.addi %parallel_loop3A_502, %parallel_loop3A_503 : i32
        %parallel_loop3A_505 = arith.index_cast %parallel_loop3A_504 : i32 to index
        %parallel_loop3A_506 = tpu.vector_load %arg6[%parallel_loop3A_505] {strides = array<i32>} : memref<12800xf32, #tpu.memory_space<vmem>>, vector<16xf32>,
        %parallel_loop3A_507 = vector.shape_cast %parallel_loop3A_506 : vector<16xf32> to vector<16xf32>
        %parallel_loop3A_508 = arith.addf %parallel_loop3A_500, %parallel_loop3A_507 : vector<16xf32>
        %parallel_loop3A_509 = arith.constant 1 : i32
        %parallel_loop3A_510 = arith.index_cast %parallel_loop3A_509 : i32 to index
        %parallel_loop3A_511 = arith.index_cast %parallel_loop3A_443 : i32 to index
        %parallel_loop3A_512 = arith.constant 32 : index
        %parallel_loop3A_513 = tpu.vector_load %arg9[%parallel_loop3A_510, %parallel_loop3A_511, %parallel_loop3A_512] {strides = array<i32>} : memref<4x200x64xf32, #tpu.memory_space<vmem>>, vector<1x1x16xf32>,
        %parallel_loop3A_514 = vector.shape_cast %parallel_loop3A_513 : vector<1x1x16xf32> to vector<16xf32>
        %parallel_loop3A_515 = vector.shape_cast %parallel_loop3A_508 : vector<16xf32> to vector<1x1x16xf32>
        tpu.vector_store %arg9[%parallel_loop3A_510, %parallel_loop3A_511, %parallel_loop3A_512], %parallel_loop3A_515 {strides = array<i32>} : memref<4x200x64xf32, #tpu.memory_space<vmem>>, vector<1x1x16xf32>,
        %parallel_loop3A_516 = arith.constant 1 : i32
        %parallel_loop3A_517 = arith.index_cast %parallel_loop3A_516 : i32 to index
        %parallel_loop3A_518 = arith.index_cast %parallel_loop3A_443 : i32 to index
        %parallel_loop3A_519 = arith.constant 48 : index
        %parallel_loop3A_520 = tpu.vector_load %arg8[%parallel_loop3A_517, %parallel_loop3A_518, %parallel_loop3A_519] {strides = array<i32>} : memref<4x200x64xf32, #tpu.memory_space<vmem>>, vector<1x1x16xf32>,
        %parallel_loop3A_521 = vector.shape_cast %parallel_loop3A_520 : vector<1x1x16xf32> to vector<16xf32>
        %parallel_loop3A_522 = arith.constant 8.000000e+00 : f32
        %parallel_loop3A_523 = vector.broadcast %parallel_loop3A_522 : f32 to vector<16xf32>
        %parallel_loop3A_524 = arith.mulf %parallel_loop3A_521, %parallel_loop3A_523 : vector<16xf32>
        %parallel_loop3A_525 = arith.constant 64 : i32
        %parallel_loop3A_526 = arith.muli %parallel_loop3A_443, %parallel_loop3A_525 : i32
        %parallel_loop3A_527 = arith.constant 48 : i32
        %parallel_loop3A_528 = arith.addi %parallel_loop3A_526, %parallel_loop3A_527 : i32
        %parallel_loop3A_529 = arith.index_cast %parallel_loop3A_528 : i32 to index
        %parallel_loop3A_530 = tpu.vector_load %arg6[%parallel_loop3A_529] {strides = array<i32>} : memref<12800xf32, #tpu.memory_space<vmem>>, vector<16xf32>,
        %parallel_loop3A_531 = vector.shape_cast %parallel_loop3A_530 : vector<16xf32> to vector<16xf32>
        %parallel_loop3A_532 = arith.addf %parallel_loop3A_524, %parallel_loop3A_531 : vector<16xf32>
        %parallel_loop3A_533 = arith.constant 1 : i32
        %parallel_loop3A_534 = arith.index_cast %parallel_loop3A_533 : i32 to index
        %parallel_loop3A_535 = arith.index_cast %parallel_loop3A_443 : i32 to index
        %parallel_loop3A_536 = arith.constant 48 : index
        %parallel_loop3A_537 = tpu.vector_load %arg9[%parallel_loop3A_534, %parallel_loop3A_535, %parallel_loop3A_536] {strides = array<i32>} : memref<4x200x64xf32, #tpu.memory_space<vmem>>, vector<1x1x16xf32>,
        %parallel_loop3A_538 = vector.shape_cast %parallel_loop3A_537 : vector<1x1x16xf32> to vector<16xf32>
        %parallel_loop3A_539 = vector.shape_cast %parallel_loop3A_532 : vector<16xf32> to vector<1x1x16xf32>
        tpu.vector_store %arg9[%parallel_loop3A_534, %parallel_loop3A_535, %parallel_loop3A_536], %parallel_loop3A_539 {strides = array<i32>} : memref<4x200x64xf32, #tpu.memory_space<vmem>>, vector<1x1x16xf32>,
      } {sc.loop_unroll_factor = 8 : i64, sc.parallel_access}
      %add3A_288 = arith.constant 1 : i32
      %add3A_289 = arith.addi %scan3A_187, %add3A_288 : i32
      %lt3A_290 = arith.constant 8 : i32
      %lt3A_291 = arith.cmpi slt, %add3A_289, %lt3A_290 : i32
      %convert_element_type3A_292 = arith.extui %lt3A_291 : i1 to i32
      %cond3A_293 = arith.constant 0 : i32
      %cond3A_294 = arith.cmpi ne, %convert_element_type3A_292, %cond3A_293 : i32
      scf.if %cond3A_294 {
        %add3A_443 = arith.constant 4 : i32
        %add3A_444 = arith.addi %add3A_251, %add3A_443 : i32
        %mul3A_445 = arith.constant 200 : i32
        %mul3A_446 = arith.muli %add3A_444, %mul3A_445 : i32
        %multiple_of3A_447 = tpu.assume_multiple %mul3A_446, 8 : i32
        %add3A_448 = arith.constant 0 : i32
        %add3A_449 = arith.addi %multiple_of3A_447, %add3A_448 : i32
        %dma_start3A_450 = arith.constant 1 : i32
        %dma_start3A_451 = arith.constant 0 : i32
        %dma_start3A_452 = arith.constant 0 : i32
        %dma_start3A_453 = tpu.memref_slice %arg8[%dma_start3A_450, %dma_start3A_451, %dma_start3A_452] : memref<4x200x64xf32, #tpu.memory_space<vmem>> -> memref<1x104x64xf32, #tpu.memory_space<vmem>>
        %dma_start3A_454 = tpu.memref_squeeze %dma_start3A_453 : memref<1x104x64xf32, #tpu.memory_space<vmem>> -> memref<104x64xf32, #tpu.memory_space<vmem>>
        %dma_start3A_455 = tpu.memref_slice %arg7[%add3A_449] : memref<6400xi32, #tpu.memory_space<vmem>> -> memref<104xi32, #tpu.memory_space<vmem>>
        %dma_start3A_456 = arith.constant 0 : i32
        %dma_start3A_457 = arith.constant 0 : i32
        %dma_start3A_458 = tpu.memref_slice %arg3[%dma_start3A_456, %dma_start3A_457] : memref<100000x64xf32, #tpu.memory_space<hbm>> -> memref<100000x64xf32, #tpu.memory_space<hbm>>
        tpu.enqueue_indirect_dma source(%dma_start3A_458 : memref<100000x64xf32, #tpu.memory_space<hbm>>) target(%dma_start3A_454 : memref<104x64xf32, #tpu.memory_space<vmem>>) offsets(%dma_start3A_455 : memref<104xi32, #tpu.memory_space<vmem>>) semaphore(%arg11 : memref<!tpu.dma_semaphore, #tpu.memory_space<semaphore_mem>>)
        %add3A_459 = arith.constant 4 : i32
        %add3A_460 = arith.addi %add3A_251, %add3A_459 : i32
        %mul3A_461 = arith.constant 200 : i32
        %mul3A_462 = arith.muli %add3A_460, %mul3A_461 : i32
        %multiple_of3A_463 = tpu.assume_multiple %mul3A_462, 8 : i32
        %add3A_464 = arith.constant 104 : i32
        %add3A_465 = arith.addi %multiple_of3A_463, %add3A_464 : i32
        %dma_start3A_466 = arith.constant 1 : i32
        %dma_start3A_467 = arith.constant 104 : i32
        %dma_start3A_468 = arith.constant 0 : i32
        %dma_start3A_469 = tpu.memref_slice %arg8[%dma_start3A_466, %dma_start3A_467, %dma_start3A_468] : memref<4x200x64xf32, #tpu.memory_space<vmem>> -> memref<1x96x64xf32, #tpu.memory_space<vmem>>
        %dma_start3A_470 = tpu.memref_squeeze %dma_start3A_469 : memref<1x96x64xf32, #tpu.memory_space<vmem>> -> memref<96x64xf32, #tpu.memory_space<vmem>>
        %dma_start3A_471 = tpu.memref_slice %arg7[%add3A_465] : memref<6400xi32, #tpu.memory_space<vmem>> -> memref<96xi32, #tpu.memory_space<vmem>>
        %dma_start3A_472 = arith.constant 0 : i32
        %dma_start3A_473 = arith.constant 0 : i32
        %dma_start3A_474 = tpu.memref_slice %arg3[%dma_start3A_472, %dma_start3A_473] : memref<100000x64xf32, #tpu.memory_space<hbm>> -> memref<100000x64xf32, #tpu.memory_space<hbm>>
        tpu.enqueue_indirect_dma source(%dma_start3A_474 : memref<100000x64xf32, #tpu.memory_space<hbm>>) target(%dma_start3A_470 : memref<96x64xf32, #tpu.memory_space<vmem>>) offsets(%dma_start3A_471 : memref<96xi32, #tpu.memory_space<vmem>>) semaphore(%arg11 : memref<!tpu.dma_semaphore, #tpu.memory_space<semaphore_mem>>)
      } else {
      }
      %add3A_295 = arith.addi %mul3A_2, %add3A_251 : i32
      %dma_start3A_296 = arith.constant 1 : i32
      %dma_start3A_297 = arith.constant 0 : i32
      %dma_start3A_298 = arith.constant 0 : i32
      %dma_start3A_299 = tpu.memref_slice %arg9[%dma_start3A_296, %dma_start3A_297, %dma_start3A_298] : memref<4x200x64xf32, #tpu.memory_space<vmem>> -> memref<1x200x64xf32, #tpu.memory_space<vmem>>
      %dma_start3A_300 = tpu.memref_squeeze %dma_start3A_299 : memref<1x200x64xf32, #tpu.memory_space<vmem>> -> memref<200x64xf32, #tpu.memory_space<vmem>>
      %dma_start3A_301 = arith.constant 0 : i32
      %dma_start3A_302 = arith.constant 0 : i32
      %dma_start3A_303 = tpu.memref_slice %arg5[%add3A_295, %dma_start3A_301, %dma_start3A_302] : memref<1024x200x64xf32, #tpu.memory_space<hbm>> -> memref<1x200x64xf32, #tpu.memory_space<hbm>>
      %dma_start3A_304 = tpu.memref_squeeze %dma_start3A_303 : memref<1x200x64xf32, #tpu.memory_space<hbm>> -> memref<200x64xf32, #tpu.memory_space<hbm>>
      %dma_start3A_305 = arith.constant 0 : i32
      %dma_start3A_306 = arith.constant 0 : i32
      %dma_start3A_307 = tpu.memref_slice %arg5[%add3A_295, %dma_start3A_305, %dma_start3A_306] : memref<1024x200x64xf32, #tpu.memory_space<hbm>> -> memref<1x200x64xf32, #tpu.memory_space<hbm>>
      %dma_start3A_308 = tpu.memref_squeeze %dma_start3A_307 : memref<1x200x64xf32, #tpu.memory_space<hbm>> -> memref<200x64xf32, #tpu.memory_space<hbm>>
      %dma_start3A_309 = arith.constant 0 : i32
      %dma_start3A_310 = arith.constant 0 : i32
      %dma_start3A_311 = tpu.memref_slice %arg9[%dma_start3A_296, %dma_start3A_309, %dma_start3A_310] : memref<4x200x64xf32, #tpu.memory_space<vmem>> -> memref<1x200x64xf32, #tpu.memory_space<vmem>>
      %dma_start3A_312 = tpu.memref_squeeze %dma_start3A_311 : memref<1x200x64xf32, #tpu.memory_space<vmem>> -> memref<200x64xf32, #tpu.memory_space<vmem>>
      tpu.enqueue_dma source(%dma_start3A_312 : memref<200x64xf32, #tpu.memory_space<vmem>>) target(%dma_start3A_308 : memref<200x64xf32, #tpu.memory_space<hbm>>) target_semaphore(%arg15 : memref<!tpu.dma_semaphore, #tpu.memory_space<semaphore_mem>>)
      %mul3A_313 = arith.constant 4 : i32
      %mul3A_314 = arith.muli %scan3A_187, %mul3A_313 : i32
      %add3A_315 = arith.constant 2 : i32
      %add3A_316 = arith.addi %mul3A_314, %add3A_315 : i32
      %mul3A_317 = arith.constant 200 : i32
      %mul3A_318 = arith.muli %add3A_316, %mul3A_317 : i32
      %multiple_of3A_319 = tpu.assume_multiple %mul3A_318, 8 : i32
      %add3A_320 = arith.constant 0 : i32
      %add3A_321 = arith.addi %multiple_of3A_319, %add3A_320 : i32
      %dma_wait3A_322 = arith.constant 2 : i32
      %dma_wait3A_323 = arith.constant 0 : i32
      %dma_wait3A_324 = arith.constant 0 : i32
      %dma_wait3A_325 = tpu.memref_slice %arg8[%dma_wait3A_322, %dma_wait3A_323, %dma_wait3A_324] : memref<4x200x64xf32, #tpu.memory_space<vmem>> -> memref<1x104x64xf32, #tpu.memory_space<vmem>>
      %dma_wait3A_326 = tpu.memref_squeeze %dma_wait3A_325 : memref<1x104x64xf32, #tpu.memory_space<vmem>> -> memref<104x64xf32, #tpu.memory_space<vmem>>
      %dma_wait3A_327 = tpu.memref_slice %arg7[%add3A_321] : memref<6400xi32, #tpu.memory_space<vmem>> -> memref<104xi32, #tpu.memory_space<vmem>>
      %dma_wait3A_328 = arith.constant 0 : i32
      %dma_wait3A_329 = arith.constant 0 : i32
      %dma_wait3A_330 = tpu.memref_slice %arg3[%dma_wait3A_328, %dma_wait3A_329] : memref<100000x64xf32, #tpu.memory_space<hbm>> -> memref<100000x64xf32, #tpu.memory_space<hbm>>
      tpu.wait_indirect_dma semaphore(%arg12 : memref<!tpu.dma_semaphore, #tpu.memory_space<semaphore_mem>>) src(%dma_wait3A_330 : memref<100000x64xf32, #tpu.memory_space<hbm>>) dst(%dma_wait3A_326 : memref<104x64xf32, #tpu.memory_space<vmem>>)
      %mul3A_331 = arith.constant 200 : i32
      %mul3A_332 = arith.muli %add3A_316, %mul3A_331 : i32
      %multiple_of3A_333 = tpu.assume_multiple %mul3A_332, 8 : i32
      %add3A_334 = arith.constant 104 : i32
      %add3A_335 = arith.addi %multiple_of3A_333, %add3A_334 : i32
      %dma_wait3A_336 = arith.constant 2 : i32
      %dma_wait3A_337 = arith.constant 104 : i32
      %dma_wait3A_338 = arith.constant 0 : i32
      %dma_wait3A_339 = tpu.memref_slice %arg8[%dma_wait3A_336, %dma_wait3A_337, %dma_wait3A_338] : memref<4x200x64xf32, #tpu.memory_space<vmem>> -> memref<1x96x64xf32, #tpu.memory_space<vmem>>
      %dma_wait3A_340 = tpu.memref_squeeze %dma_wait3A_339 : memref<1x96x64xf32, #tpu.memory_space<vmem>> -> memref<96x64xf32, #tpu.memory_space<vmem>>
      %dma_wait3A_341 = tpu.memref_slice %arg7[%add3A_335] : memref<6400xi32, #tpu.memory_space<vmem>> -> memref<96xi32, #tpu.memory_space<vmem>>
      %dma_wait3A_342 = arith.constant 0 : i32
      %dma_wait3A_343 = arith.constant 0 : i32
      %dma_wait3A_344 = tpu.memref_slice %arg3[%dma_wait3A_342, %dma_wait3A_343] : memref<100000x64xf32, #tpu.memory_space<hbm>> -> memref<100000x64xf32, #tpu.memory_space<hbm>>
      tpu.wait_indirect_dma semaphore(%arg12 : memref<!tpu.dma_semaphore, #tpu.memory_space<semaphore_mem>>) src(%dma_wait3A_344 : memref<100000x64xf32, #tpu.memory_space<hbm>>) dst(%dma_wait3A_340 : memref<96x64xf32, #tpu.memory_space<vmem>>)
      %gt3A_345 = arith.constant 0 : i32
      %gt3A_346 = arith.cmpi sgt, %scan3A_187, %gt3A_345 : i32
      %convert_element_type3A_347 = arith.extui %gt3A_346 : i1 to i32
      %cond3A_348 = arith.constant 0 : i32
      %cond3A_349 = arith.cmpi ne, %convert_element_type3A_347, %cond3A_348 : i32
      scf.if %cond3A_349 {
        %sub3A = arith.constant 4 : i32
        %sub3A_443 = arith.subi %add3A_316, %sub3A : i32
        %add3A_444 = arith.addi %mul3A_2, %sub3A_443 : i32
        %dma_wait3A_445 = arith.constant 2 : i32
        %dma_wait3A_446 = arith.constant 0 : i32
        %dma_wait3A_447 = arith.constant 0 : i32
        %dma_wait3A_448 = tpu.memref_slice %arg9[%dma_wait3A_445, %dma_wait3A_446, %dma_wait3A_447] : memref<4x200x64xf32, #tpu.memory_space<vmem>> -> memref<1x200x64xf32, #tpu.memory_space<vmem>>
        %dma_wait3A_449 = tpu.memref_squeeze %dma_wait3A_448 : memref<1x200x64xf32, #tpu.memory_space<vmem>> -> memref<200x64xf32, #tpu.memory_space<vmem>>
        %dma_wait3A_450 = arith.constant 0 : i32
        %dma_wait3A_451 = arith.constant 0 : i32
        %dma_wait3A_452 = tpu.memref_slice %arg5[%add3A_444, %dma_wait3A_450, %dma_wait3A_451] : memref<1024x200x64xf32, #tpu.memory_space<hbm>> -> memref<1x200x64xf32, #tpu.memory_space<hbm>>
        %dma_wait3A_453 = tpu.memref_squeeze %dma_wait3A_452 : memref<1x200x64xf32, #tpu.memory_space<hbm>> -> memref<200x64xf32, #tpu.memory_space<hbm>>
        %dma_wait3A_454 = arith.constant 0 : i32
        %dma_wait3A_455 = arith.constant 0 : i32
        %dma_wait3A_456 = tpu.memref_slice %arg5[%add3A_444, %dma_wait3A_454, %dma_wait3A_455] : memref<1024x200x64xf32, #tpu.memory_space<hbm>> -> memref<1x200x64xf32, #tpu.memory_space<hbm>>
        %dma_wait3A_457 = tpu.memref_squeeze %dma_wait3A_456 : memref<1x200x64xf32, #tpu.memory_space<hbm>> -> memref<200x64xf32, #tpu.memory_space<hbm>>
        %dma_wait3A_458 = arith.constant 0 : i32
        %dma_wait3A_459 = arith.constant 0 : i32
        %dma_wait3A_460 = tpu.memref_slice %arg9[%dma_wait3A_445, %dma_wait3A_458, %dma_wait3A_459] : memref<4x200x64xf32, #tpu.memory_space<vmem>> -> memref<1x200x64xf32, #tpu.memory_space<vmem>>
        %dma_wait3A_461 = tpu.memref_squeeze %dma_wait3A_460 : memref<1x200x64xf32, #tpu.memory_space<vmem>> -> memref<200x64xf32, #tpu.memory_space<vmem>>
        tpu.wait_dma2 semaphore(%arg16 : memref<!tpu.dma_semaphore, #tpu.memory_space<semaphore_mem>>) src(%dma_wait3A_461 : memref<200x64xf32, #tpu.memory_space<vmem>>) dst(%dma_wait3A_457 : memref<200x64xf32, #tpu.memory_space<hbm>>)
      } else {
      }
      %parallel_loop3A_350 = arith.constant 0 : i32
      %parallel_loop3A_351 = arith.constant 200 : i32
      %parallel_loop3A_352 = arith.constant 1 : i32
      scf.for %parallel_loop3A_443 = %parallel_loop3A_350 to %parallel_loop3A_351 step %parallel_loop3A_352  : i32 {
        %parallel_loop3A_444 = arith.constant 2 : i32
        %parallel_loop3A_445 = arith.index_cast %parallel_loop3A_444 : i32 to index
        %parallel_loop3A_446 = arith.index_cast %parallel_loop3A_443 : i32 to index
        %parallel_loop3A_447 = arith.constant 0 : index
        %parallel_loop3A_448 = tpu.vector_load %arg8[%parallel_loop3A_445, %parallel_loop3A_446, %parallel_loop3A_447] {strides = array<i32>} : memref<4x200x64xf32, #tpu.memory_space<vmem>>, vector<1x1x16xf32>,
        %parallel_loop3A_449 = vector.shape_cast %parallel_loop3A_448 : vector<1x1x16xf32> to vector<16xf32>
        %parallel_loop3A_450 = arith.constant 8.000000e+00 : f32
        %parallel_loop3A_451 = vector.broadcast %parallel_loop3A_450 : f32 to vector<16xf32>
        %parallel_loop3A_452 = arith.mulf %parallel_loop3A_449, %parallel_loop3A_451 : vector<16xf32>
        %parallel_loop3A_453 = arith.constant 64 : i32
        %parallel_loop3A_454 = arith.muli %parallel_loop3A_443, %parallel_loop3A_453 : i32
        %parallel_loop3A_455 = arith.constant 0 : i32
        %parallel_loop3A_456 = arith.addi %parallel_loop3A_454, %parallel_loop3A_455 : i32
        %parallel_loop3A_457 = arith.index_cast %parallel_loop3A_456 : i32 to index
        %parallel_loop3A_458 = tpu.vector_load %arg6[%parallel_loop3A_457] {strides = array<i32>} : memref<12800xf32, #tpu.memory_space<vmem>>, vector<16xf32>,
        %parallel_loop3A_459 = vector.shape_cast %parallel_loop3A_458 : vector<16xf32> to vector<16xf32>
        %parallel_loop3A_460 = arith.addf %parallel_loop3A_452, %parallel_loop3A_459 : vector<16xf32>
        %parallel_loop3A_461 = arith.constant 2 : i32
        %parallel_loop3A_462 = arith.index_cast %parallel_loop3A_461 : i32 to index
        %parallel_loop3A_463 = arith.index_cast %parallel_loop3A_443 : i32 to index
        %parallel_loop3A_464 = arith.constant 0 : index
        %parallel_loop3A_465 = tpu.vector_load %arg9[%parallel_loop3A_462, %parallel_loop3A_463, %parallel_loop3A_464] {strides = array<i32>} : memref<4x200x64xf32, #tpu.memory_space<vmem>>, vector<1x1x16xf32>,
        %parallel_loop3A_466 = vector.shape_cast %parallel_loop3A_465 : vector<1x1x16xf32> to vector<16xf32>
        %parallel_loop3A_467 = vector.shape_cast %parallel_loop3A_460 : vector<16xf32> to vector<1x1x16xf32>
        tpu.vector_store %arg9[%parallel_loop3A_462, %parallel_loop3A_463, %parallel_loop3A_464], %parallel_loop3A_467 {strides = array<i32>} : memref<4x200x64xf32, #tpu.memory_space<vmem>>, vector<1x1x16xf32>,
        %parallel_loop3A_468 = arith.constant 2 : i32
        %parallel_loop3A_469 = arith.index_cast %parallel_loop3A_468 : i32 to index
        %parallel_loop3A_470 = arith.index_cast %parallel_loop3A_443 : i32 to index
        %parallel_loop3A_471 = arith.constant 16 : index
        %parallel_loop3A_472 = tpu.vector_load %arg8[%parallel_loop3A_469, %parallel_loop3A_470, %parallel_loop3A_471] {strides = array<i32>} : memref<4x200x64xf32, #tpu.memory_space<vmem>>, vector<1x1x16xf32>,
        %parallel_loop3A_473 = vector.shape_cast %parallel_loop3A_472 : vector<1x1x16xf32> to vector<16xf32>
        %parallel_loop3A_474 = arith.constant 8.000000e+00 : f32
        %parallel_loop3A_475 = vector.broadcast %parallel_loop3A_474 : f32 to vector<16xf32>
        %parallel_loop3A_476 = arith.mulf %parallel_loop3A_473, %parallel_loop3A_475 : vector<16xf32>
        %parallel_loop3A_477 = arith.constant 64 : i32
        %parallel_loop3A_478 = arith.muli %parallel_loop3A_443, %parallel_loop3A_477 : i32
        %parallel_loop3A_479 = arith.constant 16 : i32
        %parallel_loop3A_480 = arith.addi %parallel_loop3A_478, %parallel_loop3A_479 : i32
        %parallel_loop3A_481 = arith.index_cast %parallel_loop3A_480 : i32 to index
        %parallel_loop3A_482 = tpu.vector_load %arg6[%parallel_loop3A_481] {strides = array<i32>} : memref<12800xf32, #tpu.memory_space<vmem>>, vector<16xf32>,
        %parallel_loop3A_483 = vector.shape_cast %parallel_loop3A_482 : vector<16xf32> to vector<16xf32>
        %parallel_loop3A_484 = arith.addf %parallel_loop3A_476, %parallel_loop3A_483 : vector<16xf32>
        %parallel_loop3A_485 = arith.constant 2 : i32
        %parallel_loop3A_486 = arith.index_cast %parallel_loop3A_485 : i32 to index
        %parallel_loop3A_487 = arith.index_cast %parallel_loop3A_443 : i32 to index
        %parallel_loop3A_488 = arith.constant 16 : index
        %parallel_loop3A_489 = tpu.vector_load %arg9[%parallel_loop3A_486, %parallel_loop3A_487, %parallel_loop3A_488] {strides = array<i32>} : memref<4x200x64xf32, #tpu.memory_space<vmem>>, vector<1x1x16xf32>,
        %parallel_loop3A_490 = vector.shape_cast %parallel_loop3A_489 : vector<1x1x16xf32> to vector<16xf32>
        %parallel_loop3A_491 = vector.shape_cast %parallel_loop3A_484 : vector<16xf32> to vector<1x1x16xf32>
        tpu.vector_store %arg9[%parallel_loop3A_486, %parallel_loop3A_487, %parallel_loop3A_488], %parallel_loop3A_491 {strides = array<i32>} : memref<4x200x64xf32, #tpu.memory_space<vmem>>, vector<1x1x16xf32>,
        %parallel_loop3A_492 = arith.constant 2 : i32
        %parallel_loop3A_493 = arith.index_cast %parallel_loop3A_492 : i32 to index
        %parallel_loop3A_494 = arith.index_cast %parallel_loop3A_443 : i32 to index
        %parallel_loop3A_495 = arith.constant 32 : index
        %parallel_loop3A_496 = tpu.vector_load %arg8[%parallel_loop3A_493, %parallel_loop3A_494, %parallel_loop3A_495] {strides = array<i32>} : memref<4x200x64xf32, #tpu.memory_space<vmem>>, vector<1x1x16xf32>,
        %parallel_loop3A_497 = vector.shape_cast %parallel_loop3A_496 : vector<1x1x16xf32> to vector<16xf32>
        %parallel_loop3A_498 = arith.constant 8.000000e+00 : f32
        %parallel_loop3A_499 = vector.broadcast %parallel_loop3A_498 : f32 to vector<16xf32>
        %parallel_loop3A_500 = arith.mulf %parallel_loop3A_497, %parallel_loop3A_499 : vector<16xf32>
        %parallel_loop3A_501 = arith.constant 64 : i32
        %parallel_loop3A_502 = arith.muli %parallel_loop3A_443, %parallel_loop3A_501 : i32
        %parallel_loop3A_503 = arith.constant 32 : i32
        %parallel_loop3A_504 = arith.addi %parallel_loop3A_502, %parallel_loop3A_503 : i32
        %parallel_loop3A_505 = arith.index_cast %parallel_loop3A_504 : i32 to index
        %parallel_loop3A_506 = tpu.vector_load %arg6[%parallel_loop3A_505] {strides = array<i32>} : memref<12800xf32, #tpu.memory_space<vmem>>, vector<16xf32>,
        %parallel_loop3A_507 = vector.shape_cast %parallel_loop3A_506 : vector<16xf32> to vector<16xf32>
        %parallel_loop3A_508 = arith.addf %parallel_loop3A_500, %parallel_loop3A_507 : vector<16xf32>
        %parallel_loop3A_509 = arith.constant 2 : i32
        %parallel_loop3A_510 = arith.index_cast %parallel_loop3A_509 : i32 to index
        %parallel_loop3A_511 = arith.index_cast %parallel_loop3A_443 : i32 to index
        %parallel_loop3A_512 = arith.constant 32 : index
        %parallel_loop3A_513 = tpu.vector_load %arg9[%parallel_loop3A_510, %parallel_loop3A_511, %parallel_loop3A_512] {strides = array<i32>} : memref<4x200x64xf32, #tpu.memory_space<vmem>>, vector<1x1x16xf32>,
        %parallel_loop3A_514 = vector.shape_cast %parallel_loop3A_513 : vector<1x1x16xf32> to vector<16xf32>
        %parallel_loop3A_515 = vector.shape_cast %parallel_loop3A_508 : vector<16xf32> to vector<1x1x16xf32>
        tpu.vector_store %arg9[%parallel_loop3A_510, %parallel_loop3A_511, %parallel_loop3A_512], %parallel_loop3A_515 {strides = array<i32>} : memref<4x200x64xf32, #tpu.memory_space<vmem>>, vector<1x1x16xf32>,
        %parallel_loop3A_516 = arith.constant 2 : i32
        %parallel_loop3A_517 = arith.index_cast %parallel_loop3A_516 : i32 to index
        %parallel_loop3A_518 = arith.index_cast %parallel_loop3A_443 : i32 to index
        %parallel_loop3A_519 = arith.constant 48 : index
        %parallel_loop3A_520 = tpu.vector_load %arg8[%parallel_loop3A_517, %parallel_loop3A_518, %parallel_loop3A_519] {strides = array<i32>} : memref<4x200x64xf32, #tpu.memory_space<vmem>>, vector<1x1x16xf32>,
        %parallel_loop3A_521 = vector.shape_cast %parallel_loop3A_520 : vector<1x1x16xf32> to vector<16xf32>
        %parallel_loop3A_522 = arith.constant 8.000000e+00 : f32
        %parallel_loop3A_523 = vector.broadcast %parallel_loop3A_522 : f32 to vector<16xf32>
        %parallel_loop3A_524 = arith.mulf %parallel_loop3A_521, %parallel_loop3A_523 : vector<16xf32>
        %parallel_loop3A_525 = arith.constant 64 : i32
        %parallel_loop3A_526 = arith.muli %parallel_loop3A_443, %parallel_loop3A_525 : i32
        %parallel_loop3A_527 = arith.constant 48 : i32
        %parallel_loop3A_528 = arith.addi %parallel_loop3A_526, %parallel_loop3A_527 : i32
        %parallel_loop3A_529 = arith.index_cast %parallel_loop3A_528 : i32 to index
        %parallel_loop3A_530 = tpu.vector_load %arg6[%parallel_loop3A_529] {strides = array<i32>} : memref<12800xf32, #tpu.memory_space<vmem>>, vector<16xf32>,
        %parallel_loop3A_531 = vector.shape_cast %parallel_loop3A_530 : vector<16xf32> to vector<16xf32>
        %parallel_loop3A_532 = arith.addf %parallel_loop3A_524, %parallel_loop3A_531 : vector<16xf32>
        %parallel_loop3A_533 = arith.constant 2 : i32
        %parallel_loop3A_534 = arith.index_cast %parallel_loop3A_533 : i32 to index
        %parallel_loop3A_535 = arith.index_cast %parallel_loop3A_443 : i32 to index
        %parallel_loop3A_536 = arith.constant 48 : index
        %parallel_loop3A_537 = tpu.vector_load %arg9[%parallel_loop3A_534, %parallel_loop3A_535, %parallel_loop3A_536] {strides = array<i32>} : memref<4x200x64xf32, #tpu.memory_space<vmem>>, vector<1x1x16xf32>,
        %parallel_loop3A_538 = vector.shape_cast %parallel_loop3A_537 : vector<1x1x16xf32> to vector<16xf32>
        %parallel_loop3A_539 = vector.shape_cast %parallel_loop3A_532 : vector<16xf32> to vector<1x1x16xf32>
        tpu.vector_store %arg9[%parallel_loop3A_534, %parallel_loop3A_535, %parallel_loop3A_536], %parallel_loop3A_539 {strides = array<i32>} : memref<4x200x64xf32, #tpu.memory_space<vmem>>, vector<1x1x16xf32>,
      } {sc.loop_unroll_factor = 8 : i64, sc.parallel_access}
      %add3A_353 = arith.constant 1 : i32
      %add3A_354 = arith.addi %scan3A_187, %add3A_353 : i32
      %lt3A_355 = arith.constant 8 : i32
      %lt3A_356 = arith.cmpi slt, %add3A_354, %lt3A_355 : i32
      %convert_element_type3A_357 = arith.extui %lt3A_356 : i1 to i32
      %cond3A_358 = arith.constant 0 : i32
      %cond3A_359 = arith.cmpi ne, %convert_element_type3A_357, %cond3A_358 : i32
      scf.if %cond3A_359 {
        %add3A_443 = arith.constant 4 : i32
        %add3A_444 = arith.addi %add3A_316, %add3A_443 : i32
        %mul3A_445 = arith.constant 200 : i32
        %mul3A_446 = arith.muli %add3A_444, %mul3A_445 : i32
        %multiple_of3A_447 = tpu.assume_multiple %mul3A_446, 8 : i32
        %add3A_448 = arith.constant 0 : i32
        %add3A_449 = arith.addi %multiple_of3A_447, %add3A_448 : i32
        %dma_start3A_450 = arith.constant 2 : i32
        %dma_start3A_451 = arith.constant 0 : i32
        %dma_start3A_452 = arith.constant 0 : i32
        %dma_start3A_453 = tpu.memref_slice %arg8[%dma_start3A_450, %dma_start3A_451, %dma_start3A_452] : memref<4x200x64xf32, #tpu.memory_space<vmem>> -> memref<1x104x64xf32, #tpu.memory_space<vmem>>
        %dma_start3A_454 = tpu.memref_squeeze %dma_start3A_453 : memref<1x104x64xf32, #tpu.memory_space<vmem>> -> memref<104x64xf32, #tpu.memory_space<vmem>>
        %dma_start3A_455 = tpu.memref_slice %arg7[%add3A_449] : memref<6400xi32, #tpu.memory_space<vmem>> -> memref<104xi32, #tpu.memory_space<vmem>>
        %dma_start3A_456 = arith.constant 0 : i32
        %dma_start3A_457 = arith.constant 0 : i32
        %dma_start3A_458 = tpu.memref_slice %arg3[%dma_start3A_456, %dma_start3A_457] : memref<100000x64xf32, #tpu.memory_space<hbm>> -> memref<100000x64xf32, #tpu.memory_space<hbm>>
        tpu.enqueue_indirect_dma source(%dma_start3A_458 : memref<100000x64xf32, #tpu.memory_space<hbm>>) target(%dma_start3A_454 : memref<104x64xf32, #tpu.memory_space<vmem>>) offsets(%dma_start3A_455 : memref<104xi32, #tpu.memory_space<vmem>>) semaphore(%arg12 : memref<!tpu.dma_semaphore, #tpu.memory_space<semaphore_mem>>)
        %add3A_459 = arith.constant 4 : i32
        %add3A_460 = arith.addi %add3A_316, %add3A_459 : i32
        %mul3A_461 = arith.constant 200 : i32
        %mul3A_462 = arith.muli %add3A_460, %mul3A_461 : i32
        %multiple_of3A_463 = tpu.assume_multiple %mul3A_462, 8 : i32
        %add3A_464 = arith.constant 104 : i32
        %add3A_465 = arith.addi %multiple_of3A_463, %add3A_464 : i32
        %dma_start3A_466 = arith.constant 2 : i32
        %dma_start3A_467 = arith.constant 104 : i32
        %dma_start3A_468 = arith.constant 0 : i32
        %dma_start3A_469 = tpu.memref_slice %arg8[%dma_start3A_466, %dma_start3A_467, %dma_start3A_468] : memref<4x200x64xf32, #tpu.memory_space<vmem>> -> memref<1x96x64xf32, #tpu.memory_space<vmem>>
        %dma_start3A_470 = tpu.memref_squeeze %dma_start3A_469 : memref<1x96x64xf32, #tpu.memory_space<vmem>> -> memref<96x64xf32, #tpu.memory_space<vmem>>
        %dma_start3A_471 = tpu.memref_slice %arg7[%add3A_465] : memref<6400xi32, #tpu.memory_space<vmem>> -> memref<96xi32, #tpu.memory_space<vmem>>
        %dma_start3A_472 = arith.constant 0 : i32
        %dma_start3A_473 = arith.constant 0 : i32
        %dma_start3A_474 = tpu.memref_slice %arg3[%dma_start3A_472, %dma_start3A_473] : memref<100000x64xf32, #tpu.memory_space<hbm>> -> memref<100000x64xf32, #tpu.memory_space<hbm>>
        tpu.enqueue_indirect_dma source(%dma_start3A_474 : memref<100000x64xf32, #tpu.memory_space<hbm>>) target(%dma_start3A_470 : memref<96x64xf32, #tpu.memory_space<vmem>>) offsets(%dma_start3A_471 : memref<96xi32, #tpu.memory_space<vmem>>) semaphore(%arg12 : memref<!tpu.dma_semaphore, #tpu.memory_space<semaphore_mem>>)
      } else {
      }
      %add3A_360 = arith.addi %mul3A_2, %add3A_316 : i32
      %dma_start3A_361 = arith.constant 2 : i32
      %dma_start3A_362 = arith.constant 0 : i32
      %dma_start3A_363 = arith.constant 0 : i32
      %dma_start3A_364 = tpu.memref_slice %arg9[%dma_start3A_361, %dma_start3A_362, %dma_start3A_363] : memref<4x200x64xf32, #tpu.memory_space<vmem>> -> memref<1x200x64xf32, #tpu.memory_space<vmem>>
      %dma_start3A_365 = tpu.memref_squeeze %dma_start3A_364 : memref<1x200x64xf32, #tpu.memory_space<vmem>> -> memref<200x64xf32, #tpu.memory_space<vmem>>
      %dma_start3A_366 = arith.constant 0 : i32
      %dma_start3A_367 = arith.constant 0 : i32
      %dma_start3A_368 = tpu.memref_slice %arg5[%add3A_360, %dma_start3A_366, %dma_start3A_367] : memref<1024x200x64xf32, #tpu.memory_space<hbm>> -> memref<1x200x64xf32, #tpu.memory_space<hbm>>
      %dma_start3A_369 = tpu.memref_squeeze %dma_start3A_368 : memref<1x200x64xf32, #tpu.memory_space<hbm>> -> memref<200x64xf32, #tpu.memory_space<hbm>>
      %dma_start3A_370 = arith.constant 0 : i32
      %dma_start3A_371 = arith.constant 0 : i32
      %dma_start3A_372 = tpu.memref_slice %arg5[%add3A_360, %dma_start3A_370, %dma_start3A_371] : memref<1024x200x64xf32, #tpu.memory_space<hbm>> -> memref<1x200x64xf32, #tpu.memory_space<hbm>>
      %dma_start3A_373 = tpu.memref_squeeze %dma_start3A_372 : memref<1x200x64xf32, #tpu.memory_space<hbm>> -> memref<200x64xf32, #tpu.memory_space<hbm>>
      %dma_start3A_374 = arith.constant 0 : i32
      %dma_start3A_375 = arith.constant 0 : i32
      %dma_start3A_376 = tpu.memref_slice %arg9[%dma_start3A_361, %dma_start3A_374, %dma_start3A_375] : memref<4x200x64xf32, #tpu.memory_space<vmem>> -> memref<1x200x64xf32, #tpu.memory_space<vmem>>
      %dma_start3A_377 = tpu.memref_squeeze %dma_start3A_376 : memref<1x200x64xf32, #tpu.memory_space<vmem>> -> memref<200x64xf32, #tpu.memory_space<vmem>>
      tpu.enqueue_dma source(%dma_start3A_377 : memref<200x64xf32, #tpu.memory_space<vmem>>) target(%dma_start3A_373 : memref<200x64xf32, #tpu.memory_space<hbm>>) target_semaphore(%arg16 : memref<!tpu.dma_semaphore, #tpu.memory_space<semaphore_mem>>)
      %mul3A_378 = arith.constant 4 : i32
      %mul3A_379 = arith.muli %scan3A_187, %mul3A_378 : i32
      %add3A_380 = arith.constant 3 : i32
      %add3A_381 = arith.addi %mul3A_379, %add3A_380 : i32
      %mul3A_382 = arith.constant 200 : i32
      %mul3A_383 = arith.muli %add3A_381, %mul3A_382 : i32
      %multiple_of3A_384 = tpu.assume_multiple %mul3A_383, 8 : i32
      %add3A_385 = arith.constant 0 : i32
      %add3A_386 = arith.addi %multiple_of3A_384, %add3A_385 : i32
      %dma_wait3A_387 = arith.constant 3 : i32
      %dma_wait3A_388 = arith.constant 0 : i32
      %dma_wait3A_389 = arith.constant 0 : i32
      %dma_wait3A_390 = tpu.memref_slice %arg8[%dma_wait3A_387, %dma_wait3A_388, %dma_wait3A_389] : memref<4x200x64xf32, #tpu.memory_space<vmem>> -> memref<1x104x64xf32, #tpu.memory_space<vmem>>
      %dma_wait3A_391 = tpu.memref_squeeze %dma_wait3A_390 : memref<1x104x64xf32, #tpu.memory_space<vmem>> -> memref<104x64xf32, #tpu.memory_space<vmem>>
      %dma_wait3A_392 = tpu.memref_slice %arg7[%add3A_386] : memref<6400xi32, #tpu.memory_space<vmem>> -> memref<104xi32, #tpu.memory_space<vmem>>
      %dma_wait3A_393 = arith.constant 0 : i32
      %dma_wait3A_394 = arith.constant 0 : i32
      %dma_wait3A_395 = tpu.memref_slice %arg3[%dma_wait3A_393, %dma_wait3A_394] : memref<100000x64xf32, #tpu.memory_space<hbm>> -> memref<100000x64xf32, #tpu.memory_space<hbm>>
      tpu.wait_indirect_dma semaphore(%arg13 : memref<!tpu.dma_semaphore, #tpu.memory_space<semaphore_mem>>) src(%dma_wait3A_395 : memref<100000x64xf32, #tpu.memory_space<hbm>>) dst(%dma_wait3A_391 : memref<104x64xf32, #tpu.memory_space<vmem>>)
      %mul3A_396 = arith.constant 200 : i32
      %mul3A_397 = arith.muli %add3A_381, %mul3A_396 : i32
      %multiple_of3A_398 = tpu.assume_multiple %mul3A_397, 8 : i32
      %add3A_399 = arith.constant 104 : i32
      %add3A_400 = arith.addi %multiple_of3A_398, %add3A_399 : i32
      %dma_wait3A_401 = arith.constant 3 : i32
      %dma_wait3A_402 = arith.constant 104 : i32
      %dma_wait3A_403 = arith.constant 0 : i32
      %dma_wait3A_404 = tpu.memref_slice %arg8[%dma_wait3A_401, %dma_wait3A_402, %dma_wait3A_403] : memref<4x200x64xf32, #tpu.memory_space<vmem>> -> memref<1x96x64xf32, #tpu.memory_space<vmem>>
      %dma_wait3A_405 = tpu.memref_squeeze %dma_wait3A_404 : memref<1x96x64xf32, #tpu.memory_space<vmem>> -> memref<96x64xf32, #tpu.memory_space<vmem>>
      %dma_wait3A_406 = tpu.memref_slice %arg7[%add3A_400] : memref<6400xi32, #tpu.memory_space<vmem>> -> memref<96xi32, #tpu.memory_space<vmem>>
      %dma_wait3A_407 = arith.constant 0 : i32
      %dma_wait3A_408 = arith.constant 0 : i32
      %dma_wait3A_409 = tpu.memref_slice %arg3[%dma_wait3A_407, %dma_wait3A_408] : memref<100000x64xf32, #tpu.memory_space<hbm>> -> memref<100000x64xf32, #tpu.memory_space<hbm>>
      tpu.wait_indirect_dma semaphore(%arg13 : memref<!tpu.dma_semaphore, #tpu.memory_space<semaphore_mem>>) src(%dma_wait3A_409 : memref<100000x64xf32, #tpu.memory_space<hbm>>) dst(%dma_wait3A_405 : memref<96x64xf32, #tpu.memory_space<vmem>>)
      %gt3A_410 = arith.constant 0 : i32
      %gt3A_411 = arith.cmpi sgt, %scan3A_187, %gt3A_410 : i32
      %convert_element_type3A_412 = arith.extui %gt3A_411 : i1 to i32
      %cond3A_413 = arith.constant 0 : i32
      %cond3A_414 = arith.cmpi ne, %convert_element_type3A_412, %cond3A_413 : i32
      scf.if %cond3A_414 {
        %sub3A = arith.constant 4 : i32
        %sub3A_443 = arith.subi %add3A_381, %sub3A : i32
        %add3A_444 = arith.addi %mul3A_2, %sub3A_443 : i32
        %dma_wait3A_445 = arith.constant 3 : i32
        %dma_wait3A_446 = arith.constant 0 : i32
        %dma_wait3A_447 = arith.constant 0 : i32
        %dma_wait3A_448 = tpu.memref_slice %arg9[%dma_wait3A_445, %dma_wait3A_446, %dma_wait3A_447] : memref<4x200x64xf32, #tpu.memory_space<vmem>> -> memref<1x200x64xf32, #tpu.memory_space<vmem>>
        %dma_wait3A_449 = tpu.memref_squeeze %dma_wait3A_448 : memref<1x200x64xf32, #tpu.memory_space<vmem>> -> memref<200x64xf32, #tpu.memory_space<vmem>>
        %dma_wait3A_450 = arith.constant 0 : i32
        %dma_wait3A_451 = arith.constant 0 : i32
        %dma_wait3A_452 = tpu.memref_slice %arg5[%add3A_444, %dma_wait3A_450, %dma_wait3A_451] : memref<1024x200x64xf32, #tpu.memory_space<hbm>> -> memref<1x200x64xf32, #tpu.memory_space<hbm>>
        %dma_wait3A_453 = tpu.memref_squeeze %dma_wait3A_452 : memref<1x200x64xf32, #tpu.memory_space<hbm>> -> memref<200x64xf32, #tpu.memory_space<hbm>>
        %dma_wait3A_454 = arith.constant 0 : i32
        %dma_wait3A_455 = arith.constant 0 : i32
        %dma_wait3A_456 = tpu.memref_slice %arg5[%add3A_444, %dma_wait3A_454, %dma_wait3A_455] : memref<1024x200x64xf32, #tpu.memory_space<hbm>> -> memref<1x200x64xf32, #tpu.memory_space<hbm>>
        %dma_wait3A_457 = tpu.memref_squeeze %dma_wait3A_456 : memref<1x200x64xf32, #tpu.memory_space<hbm>> -> memref<200x64xf32, #tpu.memory_space<hbm>>
        %dma_wait3A_458 = arith.constant 0 : i32
        %dma_wait3A_459 = arith.constant 0 : i32
        %dma_wait3A_460 = tpu.memref_slice %arg9[%dma_wait3A_445, %dma_wait3A_458, %dma_wait3A_459] : memref<4x200x64xf32, #tpu.memory_space<vmem>> -> memref<1x200x64xf32, #tpu.memory_space<vmem>>
        %dma_wait3A_461 = tpu.memref_squeeze %dma_wait3A_460 : memref<1x200x64xf32, #tpu.memory_space<vmem>> -> memref<200x64xf32, #tpu.memory_space<vmem>>
        tpu.wait_dma2 semaphore(%arg17 : memref<!tpu.dma_semaphore, #tpu.memory_space<semaphore_mem>>) src(%dma_wait3A_461 : memref<200x64xf32, #tpu.memory_space<vmem>>) dst(%dma_wait3A_457 : memref<200x64xf32, #tpu.memory_space<hbm>>)
      } else {
      }
      %parallel_loop3A_415 = arith.constant 0 : i32
      %parallel_loop3A_416 = arith.constant 200 : i32
      %parallel_loop3A_417 = arith.constant 1 : i32
      scf.for %parallel_loop3A_443 = %parallel_loop3A_415 to %parallel_loop3A_416 step %parallel_loop3A_417  : i32 {
        %parallel_loop3A_444 = arith.constant 3 : i32
        %parallel_loop3A_445 = arith.index_cast %parallel_loop3A_444 : i32 to index
        %parallel_loop3A_446 = arith.index_cast %parallel_loop3A_443 : i32 to index
        %parallel_loop3A_447 = arith.constant 0 : index
        %parallel_loop3A_448 = tpu.vector_load %arg8[%parallel_loop3A_445, %parallel_loop3A_446, %parallel_loop3A_447] {strides = array<i32>} : memref<4x200x64xf32, #tpu.memory_space<vmem>>, vector<1x1x16xf32>,
        %parallel_loop3A_449 = vector.shape_cast %parallel_loop3A_448 : vector<1x1x16xf32> to vector<16xf32>
        %parallel_loop3A_450 = arith.constant 8.000000e+00 : f32
        %parallel_loop3A_451 = vector.broadcast %parallel_loop3A_450 : f32 to vector<16xf32>
        %parallel_loop3A_452 = arith.mulf %parallel_loop3A_449, %parallel_loop3A_451 : vector<16xf32>
        %parallel_loop3A_453 = arith.constant 64 : i32
        %parallel_loop3A_454 = arith.muli %parallel_loop3A_443, %parallel_loop3A_453 : i32
        %parallel_loop3A_455 = arith.constant 0 : i32
        %parallel_loop3A_456 = arith.addi %parallel_loop3A_454, %parallel_loop3A_455 : i32
        %parallel_loop3A_457 = arith.index_cast %parallel_loop3A_456 : i32 to index
        %parallel_loop3A_458 = tpu.vector_load %arg6[%parallel_loop3A_457] {strides = array<i32>} : memref<12800xf32, #tpu.memory_space<vmem>>, vector<16xf32>,
        %parallel_loop3A_459 = vector.shape_cast %parallel_loop3A_458 : vector<16xf32> to vector<16xf32>
        %parallel_loop3A_460 = arith.addf %parallel_loop3A_452, %parallel_loop3A_459 : vector<16xf32>
        %parallel_loop3A_461 = arith.constant 3 : i32
        %parallel_loop3A_462 = arith.index_cast %parallel_loop3A_461 : i32 to index
        %parallel_loop3A_463 = arith.index_cast %parallel_loop3A_443 : i32 to index
        %parallel_loop3A_464 = arith.constant 0 : index
        %parallel_loop3A_465 = tpu.vector_load %arg9[%parallel_loop3A_462, %parallel_loop3A_463, %parallel_loop3A_464] {strides = array<i32>} : memref<4x200x64xf32, #tpu.memory_space<vmem>>, vector<1x1x16xf32>,
        %parallel_loop3A_466 = vector.shape_cast %parallel_loop3A_465 : vector<1x1x16xf32> to vector<16xf32>
        %parallel_loop3A_467 = vector.shape_cast %parallel_loop3A_460 : vector<16xf32> to vector<1x1x16xf32>
        tpu.vector_store %arg9[%parallel_loop3A_462, %parallel_loop3A_463, %parallel_loop3A_464], %parallel_loop3A_467 {strides = array<i32>} : memref<4x200x64xf32, #tpu.memory_space<vmem>>, vector<1x1x16xf32>,
        %parallel_loop3A_468 = arith.constant 3 : i32
        %parallel_loop3A_469 = arith.index_cast %parallel_loop3A_468 : i32 to index
        %parallel_loop3A_470 = arith.index_cast %parallel_loop3A_443 : i32 to index
        %parallel_loop3A_471 = arith.constant 16 : index
        %parallel_loop3A_472 = tpu.vector_load %arg8[%parallel_loop3A_469, %parallel_loop3A_470, %parallel_loop3A_471] {strides = array<i32>} : memref<4x200x64xf32, #tpu.memory_space<vmem>>, vector<1x1x16xf32>,
        %parallel_loop3A_473 = vector.shape_cast %parallel_loop3A_472 : vector<1x1x16xf32> to vector<16xf32>
        %parallel_loop3A_474 = arith.constant 8.000000e+00 : f32
        %parallel_loop3A_475 = vector.broadcast %parallel_loop3A_474 : f32 to vector<16xf32>
        %parallel_loop3A_476 = arith.mulf %parallel_loop3A_473, %parallel_loop3A_475 : vector<16xf32>
        %parallel_loop3A_477 = arith.constant 64 : i32
        %parallel_loop3A_478 = arith.muli %parallel_loop3A_443, %parallel_loop3A_477 : i32
        %parallel_loop3A_479 = arith.constant 16 : i32
        %parallel_loop3A_480 = arith.addi %parallel_loop3A_478, %parallel_loop3A_479 : i32
        %parallel_loop3A_481 = arith.index_cast %parallel_loop3A_480 : i32 to index
        %parallel_loop3A_482 = tpu.vector_load %arg6[%parallel_loop3A_481] {strides = array<i32>} : memref<12800xf32, #tpu.memory_space<vmem>>, vector<16xf32>,
        %parallel_loop3A_483 = vector.shape_cast %parallel_loop3A_482 : vector<16xf32> to vector<16xf32>
        %parallel_loop3A_484 = arith.addf %parallel_loop3A_476, %parallel_loop3A_483 : vector<16xf32>
        %parallel_loop3A_485 = arith.constant 3 : i32
        %parallel_loop3A_486 = arith.index_cast %parallel_loop3A_485 : i32 to index
        %parallel_loop3A_487 = arith.index_cast %parallel_loop3A_443 : i32 to index
        %parallel_loop3A_488 = arith.constant 16 : index
        %parallel_loop3A_489 = tpu.vector_load %arg9[%parallel_loop3A_486, %parallel_loop3A_487, %parallel_loop3A_488] {strides = array<i32>} : memref<4x200x64xf32, #tpu.memory_space<vmem>>, vector<1x1x16xf32>,
        %parallel_loop3A_490 = vector.shape_cast %parallel_loop3A_489 : vector<1x1x16xf32> to vector<16xf32>
        %parallel_loop3A_491 = vector.shape_cast %parallel_loop3A_484 : vector<16xf32> to vector<1x1x16xf32>
        tpu.vector_store %arg9[%parallel_loop3A_486, %parallel_loop3A_487, %parallel_loop3A_488], %parallel_loop3A_491 {strides = array<i32>} : memref<4x200x64xf32, #tpu.memory_space<vmem>>, vector<1x1x16xf32>,
        %parallel_loop3A_492 = arith.constant 3 : i32
        %parallel_loop3A_493 = arith.index_cast %parallel_loop3A_492 : i32 to index
        %parallel_loop3A_494 = arith.index_cast %parallel_loop3A_443 : i32 to index
        %parallel_loop3A_495 = arith.constant 32 : index
        %parallel_loop3A_496 = tpu.vector_load %arg8[%parallel_loop3A_493, %parallel_loop3A_494, %parallel_loop3A_495] {strides = array<i32>} : memref<4x200x64xf32, #tpu.memory_space<vmem>>, vector<1x1x16xf32>,
        %parallel_loop3A_497 = vector.shape_cast %parallel_loop3A_496 : vector<1x1x16xf32> to vector<16xf32>
        %parallel_loop3A_498 = arith.constant 8.000000e+00 : f32
        %parallel_loop3A_499 = vector.broadcast %parallel_loop3A_498 : f32 to vector<16xf32>
        %parallel_loop3A_500 = arith.mulf %parallel_loop3A_497, %parallel_loop3A_499 : vector<16xf32>
        %parallel_loop3A_501 = arith.constant 64 : i32
        %parallel_loop3A_502 = arith.muli %parallel_loop3A_443, %parallel_loop3A_501 : i32
        %parallel_loop3A_503 = arith.constant 32 : i32
        %parallel_loop3A_504 = arith.addi %parallel_loop3A_502, %parallel_loop3A_503 : i32
        %parallel_loop3A_505 = arith.index_cast %parallel_loop3A_504 : i32 to index
        %parallel_loop3A_506 = tpu.vector_load %arg6[%parallel_loop3A_505] {strides = array<i32>} : memref<12800xf32, #tpu.memory_space<vmem>>, vector<16xf32>,
        %parallel_loop3A_507 = vector.shape_cast %parallel_loop3A_506 : vector<16xf32> to vector<16xf32>
        %parallel_loop3A_508 = arith.addf %parallel_loop3A_500, %parallel_loop3A_507 : vector<16xf32>
        %parallel_loop3A_509 = arith.constant 3 : i32
        %parallel_loop3A_510 = arith.index_cast %parallel_loop3A_509 : i32 to index
        %parallel_loop3A_511 = arith.index_cast %parallel_loop3A_443 : i32 to index
        %parallel_loop3A_512 = arith.constant 32 : index
        %parallel_loop3A_513 = tpu.vector_load %arg9[%parallel_loop3A_510, %parallel_loop3A_511, %parallel_loop3A_512] {strides = array<i32>} : memref<4x200x64xf32, #tpu.memory_space<vmem>>, vector<1x1x16xf32>,
        %parallel_loop3A_514 = vector.shape_cast %parallel_loop3A_513 : vector<1x1x16xf32> to vector<16xf32>
        %parallel_loop3A_515 = vector.shape_cast %parallel_loop3A_508 : vector<16xf32> to vector<1x1x16xf32>
        tpu.vector_store %arg9[%parallel_loop3A_510, %parallel_loop3A_511, %parallel_loop3A_512], %parallel_loop3A_515 {strides = array<i32>} : memref<4x200x64xf32, #tpu.memory_space<vmem>>, vector<1x1x16xf32>,
        %parallel_loop3A_516 = arith.constant 3 : i32
        %parallel_loop3A_517 = arith.index_cast %parallel_loop3A_516 : i32 to index
        %parallel_loop3A_518 = arith.index_cast %parallel_loop3A_443 : i32 to index
        %parallel_loop3A_519 = arith.constant 48 : index
        %parallel_loop3A_520 = tpu.vector_load %arg8[%parallel_loop3A_517, %parallel_loop3A_518, %parallel_loop3A_519] {strides = array<i32>} : memref<4x200x64xf32, #tpu.memory_space<vmem>>, vector<1x1x16xf32>,
        %parallel_loop3A_521 = vector.shape_cast %parallel_loop3A_520 : vector<1x1x16xf32> to vector<16xf32>
        %parallel_loop3A_522 = arith.constant 8.000000e+00 : f32
        %parallel_loop3A_523 = vector.broadcast %parallel_loop3A_522 : f32 to vector<16xf32>
        %parallel_loop3A_524 = arith.mulf %parallel_loop3A_521, %parallel_loop3A_523 : vector<16xf32>
        %parallel_loop3A_525 = arith.constant 64 : i32
        %parallel_loop3A_526 = arith.muli %parallel_loop3A_443, %parallel_loop3A_525 : i32
        %parallel_loop3A_527 = arith.constant 48 : i32
        %parallel_loop3A_528 = arith.addi %parallel_loop3A_526, %parallel_loop3A_527 : i32
        %parallel_loop3A_529 = arith.index_cast %parallel_loop3A_528 : i32 to index
        %parallel_loop3A_530 = tpu.vector_load %arg6[%parallel_loop3A_529] {strides = array<i32>} : memref<12800xf32, #tpu.memory_space<vmem>>, vector<16xf32>,
        %parallel_loop3A_531 = vector.shape_cast %parallel_loop3A_530 : vector<16xf32> to vector<16xf32>
        %parallel_loop3A_532 = arith.addf %parallel_loop3A_524, %parallel_loop3A_531 : vector<16xf32>
        %parallel_loop3A_533 = arith.constant 3 : i32
        %parallel_loop3A_534 = arith.index_cast %parallel_loop3A_533 : i32 to index
        %parallel_loop3A_535 = arith.index_cast %parallel_loop3A_443 : i32 to index
        %parallel_loop3A_536 = arith.constant 48 : index
        %parallel_loop3A_537 = tpu.vector_load %arg9[%parallel_loop3A_534, %parallel_loop3A_535, %parallel_loop3A_536] {strides = array<i32>} : memref<4x200x64xf32, #tpu.memory_space<vmem>>, vector<1x1x16xf32>,
        %parallel_loop3A_538 = vector.shape_cast %parallel_loop3A_537 : vector<1x1x16xf32> to vector<16xf32>
        %parallel_loop3A_539 = vector.shape_cast %parallel_loop3A_532 : vector<16xf32> to vector<1x1x16xf32>
        tpu.vector_store %arg9[%parallel_loop3A_534, %parallel_loop3A_535, %parallel_loop3A_536], %parallel_loop3A_539 {strides = array<i32>} : memref<4x200x64xf32, #tpu.memory_space<vmem>>, vector<1x1x16xf32>,
      } {sc.loop_unroll_factor = 8 : i64, sc.parallel_access}
      %add3A_418 = arith.constant 1 : i32
      %add3A_419 = arith.addi %scan3A_187, %add3A_418 : i32
      %lt3A_420 = arith.constant 8 : i32
      %lt3A_421 = arith.cmpi slt, %add3A_419, %lt3A_420 : i32
      %convert_element_type3A_422 = arith.extui %lt3A_421 : i1 to i32
      %cond3A_423 = arith.constant 0 : i32
      %cond3A_424 = arith.cmpi ne, %convert_element_type3A_422, %cond3A_423 : i32
      scf.if %cond3A_424 {
        %add3A_443 = arith.constant 4 : i32
        %add3A_444 = arith.addi %add3A_381, %add3A_443 : i32
        %mul3A_445 = arith.constant 200 : i32
        %mul3A_446 = arith.muli %add3A_444, %mul3A_445 : i32
        %multiple_of3A_447 = tpu.assume_multiple %mul3A_446, 8 : i32
        %add3A_448 = arith.constant 0 : i32
        %add3A_449 = arith.addi %multiple_of3A_447, %add3A_448 : i32
        %dma_start3A_450 = arith.constant 3 : i32
        %dma_start3A_451 = arith.constant 0 : i32
        %dma_start3A_452 = arith.constant 0 : i32
        %dma_start3A_453 = tpu.memref_slice %arg8[%dma_start3A_450, %dma_start3A_451, %dma_start3A_452] : memref<4x200x64xf32, #tpu.memory_space<vmem>> -> memref<1x104x64xf32, #tpu.memory_space<vmem>>
        %dma_start3A_454 = tpu.memref_squeeze %dma_start3A_453 : memref<1x104x64xf32, #tpu.memory_space<vmem>> -> memref<104x64xf32, #tpu.memory_space<vmem>>
        %dma_start3A_455 = tpu.memref_slice %arg7[%add3A_449] : memref<6400xi32, #tpu.memory_space<vmem>> -> memref<104xi32, #tpu.memory_space<vmem>>
        %dma_start3A_456 = arith.constant 0 : i32
        %dma_start3A_457 = arith.constant 0 : i32
        %dma_start3A_458 = tpu.memref_slice %arg3[%dma_start3A_456, %dma_start3A_457] : memref<100000x64xf32, #tpu.memory_space<hbm>> -> memref<100000x64xf32, #tpu.memory_space<hbm>>
        tpu.enqueue_indirect_dma source(%dma_start3A_458 : memref<100000x64xf32, #tpu.memory_space<hbm>>) target(%dma_start3A_454 : memref<104x64xf32, #tpu.memory_space<vmem>>) offsets(%dma_start3A_455 : memref<104xi32, #tpu.memory_space<vmem>>) semaphore(%arg13 : memref<!tpu.dma_semaphore, #tpu.memory_space<semaphore_mem>>)
        %add3A_459 = arith.constant 4 : i32
        %add3A_460 = arith.addi %add3A_381, %add3A_459 : i32
        %mul3A_461 = arith.constant 200 : i32
        %mul3A_462 = arith.muli %add3A_460, %mul3A_461 : i32
        %multiple_of3A_463 = tpu.assume_multiple %mul3A_462, 8 : i32
        %add3A_464 = arith.constant 104 : i32
        %add3A_465 = arith.addi %multiple_of3A_463, %add3A_464 : i32
        %dma_start3A_466 = arith.constant 3 : i32
        %dma_start3A_467 = arith.constant 104 : i32
        %dma_start3A_468 = arith.constant 0 : i32
        %dma_start3A_469 = tpu.memref_slice %arg8[%dma_start3A_466, %dma_start3A_467, %dma_start3A_468] : memref<4x200x64xf32, #tpu.memory_space<vmem>> -> memref<1x96x64xf32, #tpu.memory_space<vmem>>
        %dma_start3A_470 = tpu.memref_squeeze %dma_start3A_469 : memref<1x96x64xf32, #tpu.memory_space<vmem>> -> memref<96x64xf32, #tpu.memory_space<vmem>>
        %dma_start3A_471 = tpu.memref_slice %arg7[%add3A_465] : memref<6400xi32, #tpu.memory_space<vmem>> -> memref<96xi32, #tpu.memory_space<vmem>>
        %dma_start3A_472 = arith.constant 0 : i32
        %dma_start3A_473 = arith.constant 0 : i32
        %dma_start3A_474 = tpu.memref_slice %arg3[%dma_start3A_472, %dma_start3A_473] : memref<100000x64xf32, #tpu.memory_space<hbm>> -> memref<100000x64xf32, #tpu.memory_space<hbm>>
        tpu.enqueue_indirect_dma source(%dma_start3A_474 : memref<100000x64xf32, #tpu.memory_space<hbm>>) target(%dma_start3A_470 : memref<96x64xf32, #tpu.memory_space<vmem>>) offsets(%dma_start3A_471 : memref<96xi32, #tpu.memory_space<vmem>>) semaphore(%arg13 : memref<!tpu.dma_semaphore, #tpu.memory_space<semaphore_mem>>)
      } else {
      }
      %add3A_425 = arith.addi %mul3A_2, %add3A_381 : i32
      %dma_start3A_426 = arith.constant 3 : i32
      %dma_start3A_427 = arith.constant 0 : i32
      %dma_start3A_428 = arith.constant 0 : i32
      %dma_start3A_429 = tpu.memref_slice %arg9[%dma_start3A_426, %dma_start3A_427, %dma_start3A_428] : memref<4x200x64xf32, #tpu.memory_space<vmem>> -> memref<1x200x64xf32, #tpu.memory_space<vmem>>
      %dma_start3A_430 = tpu.memref_squeeze %dma_start3A_429 : memref<1x200x64xf32, #tpu.memory_space<vmem>> -> memref<200x64xf32, #tpu.memory_space<vmem>>
      %dma_start3A_431 = arith.constant 0 : i32
      %dma_start3A_432 = arith.constant 0 : i32
      %dma_start3A_433 = tpu.memref_slice %arg5[%add3A_425, %dma_start3A_431, %dma_start3A_432] : memref<1024x200x64xf32, #tpu.memory_space<hbm>> -> memref<1x200x64xf32, #tpu.memory_space<hbm>>
      %dma_start3A_434 = tpu.memref_squeeze %dma_start3A_433 : memref<1x200x64xf32, #tpu.memory_space<hbm>> -> memref<200x64xf32, #tpu.memory_space<hbm>>
      %dma_start3A_435 = arith.constant 0 : i32
      %dma_start3A_436 = arith.constant 0 : i32
      %dma_start3A_437 = tpu.memref_slice %arg5[%add3A_425, %dma_start3A_435, %dma_start3A_436] : memref<1024x200x64xf32, #tpu.memory_space<hbm>> -> memref<1x200x64xf32, #tpu.memory_space<hbm>>
      %dma_start3A_438 = tpu.memref_squeeze %dma_start3A_437 : memref<1x200x64xf32, #tpu.memory_space<hbm>> -> memref<200x64xf32, #tpu.memory_space<hbm>>
      %dma_start3A_439 = arith.constant 0 : i32
      %dma_start3A_440 = arith.constant 0 : i32
      %dma_start3A_441 = tpu.memref_slice %arg9[%dma_start3A_426, %dma_start3A_439, %dma_start3A_440] : memref<4x200x64xf32, #tpu.memory_space<vmem>> -> memref<1x200x64xf32, #tpu.memory_space<vmem>>
      %dma_start3A_442 = tpu.memref_squeeze %dma_start3A_441 : memref<1x200x64xf32, #tpu.memory_space<vmem>> -> memref<200x64xf32, #tpu.memory_space<vmem>>
      tpu.enqueue_dma source(%dma_start3A_442 : memref<200x64xf32, #tpu.memory_space<vmem>>) target(%dma_start3A_438 : memref<200x64xf32, #tpu.memory_space<hbm>>) target_semaphore(%arg17 : memref<!tpu.dma_semaphore, #tpu.memory_space<semaphore_mem>>)
    }
    %scan3A_111 = arith.constant 8 : i32
    %add3A_112 = arith.constant 28 : i32
    %add3A_113 = arith.addi %mul3A_2, %add3A_112 : i32
    %dma_wait3A = arith.constant 0 : i32
    %dma_wait3A_114 = arith.constant 0 : i32
    %dma_wait3A_115 = arith.constant 0 : i32
    %dma_wait3A_116 = tpu.memref_slice %arg9[%dma_wait3A, %dma_wait3A_114, %dma_wait3A_115] : memref<4x200x64xf32, #tpu.memory_space<vmem>> -> memref<1x200x64xf32, #tpu.memory_space<vmem>>
    %dma_wait3A_117 = tpu.memref_squeeze %dma_wait3A_116 : memref<1x200x64xf32, #tpu.memory_space<vmem>> -> memref<200x64xf32, #tpu.memory_space<vmem>>
    %dma_wait3A_118 = arith.constant 0 : i32
    %dma_wait3A_119 = arith.constant 0 : i32
    %dma_wait3A_120 = tpu.memref_slice %arg5[%add3A_113, %dma_wait3A_118, %dma_wait3A_119] : memref<1024x200x64xf32, #tpu.memory_space<hbm>> -> memref<1x200x64xf32, #tpu.memory_space<hbm>>
    %dma_wait3A_121 = tpu.memref_squeeze %dma_wait3A_120 : memref<1x200x64xf32, #tpu.memory_space<hbm>> -> memref<200x64xf32, #tpu.memory_space<hbm>>
    %dma_wait3A_122 = arith.constant 0 : i32
    %dma_wait3A_123 = arith.constant 0 : i32
    %dma_wait3A_124 = tpu.memref_slice %arg5[%add3A_113, %dma_wait3A_122, %dma_wait3A_123] : memref<1024x200x64xf32, #tpu.memory_space<hbm>> -> memref<1x200x64xf32, #tpu.memory_space<hbm>>
    %dma_wait3A_125 = tpu.memref_squeeze %dma_wait3A_124 : memref<1x200x64xf32, #tpu.memory_space<hbm>> -> memref<200x64xf32, #tpu.memory_space<hbm>>
    %dma_wait3A_126 = arith.constant 0 : i32
    %dma_wait3A_127 = arith.constant 0 : i32
    %dma_wait3A_128 = tpu.memref_slice %arg9[%dma_wait3A, %dma_wait3A_126, %dma_wait3A_127] : memref<4x200x64xf32, #tpu.memory_space<vmem>> -> memref<1x200x64xf32, #tpu.memory_space<vmem>>
    %dma_wait3A_129 = tpu.memref_squeeze %dma_wait3A_128 : memref<1x200x64xf32, #tpu.memory_space<vmem>> -> memref<200x64xf32, #tpu.memory_space<vmem>>
    tpu.wait_dma2 semaphore(%arg14 : memref<!tpu.dma_semaphore, #tpu.memory_space<semaphore_mem>>) src(%dma_wait3A_129 : memref<200x64xf32, #tpu.memory_space<vmem>>) dst(%dma_wait3A_125 : memref<200x64xf32, #tpu.memory_space<hbm>>)
    %add3A_130 = arith.constant 29 : i32
    %add3A_131 = arith.addi %mul3A_2, %add3A_130 : i32
    %dma_wait3A_132 = arith.constant 1 : i32
    %dma_wait3A_133 = arith.constant 0 : i32
    %dma_wait3A_134 = arith.constant 0 : i32
    %dma_wait3A_135 = tpu.memref_slice %arg9[%dma_wait3A_132, %dma_wait3A_133, %dma_wait3A_134] : memref<4x200x64xf32, #tpu.memory_space<vmem>> -> memref<1x200x64xf32, #tpu.memory_space<vmem>>
    %dma_wait3A_136 = tpu.memref_squeeze %dma_wait3A_135 : memref<1x200x64xf32, #tpu.memory_space<vmem>> -> memref<200x64xf32, #tpu.memory_space<vmem>>
    %dma_wait3A_137 = arith.constant 0 : i32
    %dma_wait3A_138 = arith.constant 0 : i32
    %dma_wait3A_139 = tpu.memref_slice %arg5[%add3A_131, %dma_wait3A_137, %dma_wait3A_138] : memref<1024x200x64xf32, #tpu.memory_space<hbm>> -> memref<1x200x64xf32, #tpu.memory_space<hbm>>
    %dma_wait3A_140 = tpu.memref_squeeze %dma_wait3A_139 : memref<1x200x64xf32, #tpu.memory_space<hbm>> -> memref<200x64xf32, #tpu.memory_space<hbm>>
    %dma_wait3A_141 = arith.constant 0 : i32
    %dma_wait3A_142 = arith.constant 0 : i32
    %dma_wait3A_143 = tpu.memref_slice %arg5[%add3A_131, %dma_wait3A_141, %dma_wait3A_142] : memref<1024x200x64xf32, #tpu.memory_space<hbm>> -> memref<1x200x64xf32, #tpu.memory_space<hbm>>
    %dma_wait3A_144 = tpu.memref_squeeze %dma_wait3A_143 : memref<1x200x64xf32, #tpu.memory_space<hbm>> -> memref<200x64xf32, #tpu.memory_space<hbm>>
    %dma_wait3A_145 = arith.constant 0 : i32
    %dma_wait3A_146 = arith.constant 0 : i32
    %dma_wait3A_147 = tpu.memref_slice %arg9[%dma_wait3A_132, %dma_wait3A_145, %dma_wait3A_146] : memref<4x200x64xf32, #tpu.memory_space<vmem>> -> memref<1x200x64xf32, #tpu.memory_space<vmem>>
    %dma_wait3A_148 = tpu.memref_squeeze %dma_wait3A_147 : memref<1x200x64xf32, #tpu.memory_space<vmem>> -> memref<200x64xf32, #tpu.memory_space<vmem>>
    tpu.wait_dma2 semaphore(%arg15 : memref<!tpu.dma_semaphore, #tpu.memory_space<semaphore_mem>>) src(%dma_wait3A_148 : memref<200x64xf32, #tpu.memory_space<vmem>>) dst(%dma_wait3A_144 : memref<200x64xf32, #tpu.memory_space<hbm>>)
    %add3A_149 = arith.constant 30 : i32
    %add3A_150 = arith.addi %mul3A_2, %add3A_149 : i32
    %dma_wait3A_151 = arith.constant 2 : i32
    %dma_wait3A_152 = arith.constant 0 : i32
    %dma_wait3A_153 = arith.constant 0 : i32
    %dma_wait3A_154 = tpu.memref_slice %arg9[%dma_wait3A_151, %dma_wait3A_152, %dma_wait3A_153] : memref<4x200x64xf32, #tpu.memory_space<vmem>> -> memref<1x200x64xf32, #tpu.memory_space<vmem>>
    %dma_wait3A_155 = tpu.memref_squeeze %dma_wait3A_154 : memref<1x200x64xf32, #tpu.memory_space<vmem>> -> memref<200x64xf32, #tpu.memory_space<vmem>>
    %dma_wait3A_156 = arith.constant 0 : i32
    %dma_wait3A_157 = arith.constant 0 : i32
    %dma_wait3A_158 = tpu.memref_slice %arg5[%add3A_150, %dma_wait3A_156, %dma_wait3A_157] : memref<1024x200x64xf32, #tpu.memory_space<hbm>> -> memref<1x200x64xf32, #tpu.memory_space<hbm>>
    %dma_wait3A_159 = tpu.memref_squeeze %dma_wait3A_158 : memref<1x200x64xf32, #tpu.memory_space<hbm>> -> memref<200x64xf32, #tpu.memory_space<hbm>>
    %dma_wait3A_160 = arith.constant 0 : i32
    %dma_wait3A_161 = arith.constant 0 : i32
    %dma_wait3A_162 = tpu.memref_slice %arg5[%add3A_150, %dma_wait3A_160, %dma_wait3A_161] : memref<1024x200x64xf32, #tpu.memory_space<hbm>> -> memref<1x200x64xf32, #tpu.memory_space<hbm>>
    %dma_wait3A_163 = tpu.memref_squeeze %dma_wait3A_162 : memref<1x200x64xf32, #tpu.memory_space<hbm>> -> memref<200x64xf32, #tpu.memory_space<hbm>>
    %dma_wait3A_164 = arith.constant 0 : i32
    %dma_wait3A_165 = arith.constant 0 : i32
    %dma_wait3A_166 = tpu.memref_slice %arg9[%dma_wait3A_151, %dma_wait3A_164, %dma_wait3A_165] : memref<4x200x64xf32, #tpu.memory_space<vmem>> -> memref<1x200x64xf32, #tpu.memory_space<vmem>>
    %dma_wait3A_167 = tpu.memref_squeeze %dma_wait3A_166 : memref<1x200x64xf32, #tpu.memory_space<vmem>> -> memref<200x64xf32, #tpu.memory_space<vmem>>
    tpu.wait_dma2 semaphore(%arg16 : memref<!tpu.dma_semaphore, #tpu.memory_space<semaphore_mem>>) src(%dma_wait3A_167 : memref<200x64xf32, #tpu.memory_space<vmem>>) dst(%dma_wait3A_163 : memref<200x64xf32, #tpu.memory_space<hbm>>)
    %add3A_168 = arith.constant 31 : i32
    %add3A_169 = arith.addi %mul3A_2, %add3A_168 : i32
    %dma_wait3A_170 = arith.constant 3 : i32
    %dma_wait3A_171 = arith.constant 0 : i32
    %dma_wait3A_172 = arith.constant 0 : i32
    %dma_wait3A_173 = tpu.memref_slice %arg9[%dma_wait3A_170, %dma_wait3A_171, %dma_wait3A_172] : memref<4x200x64xf32, #tpu.memory_space<vmem>> -> memref<1x200x64xf32, #tpu.memory_space<vmem>>
    %dma_wait3A_174 = tpu.memref_squeeze %dma_wait3A_173 : memref<1x200x64xf32, #tpu.memory_space<vmem>> -> memref<200x64xf32, #tpu.memory_space<vmem>>
    %dma_wait3A_175 = arith.constant 0 : i32
    %dma_wait3A_176 = arith.constant 0 : i32
    %dma_wait3A_177 = tpu.memref_slice %arg5[%add3A_169, %dma_wait3A_175, %dma_wait3A_176] : memref<1024x200x64xf32, #tpu.memory_space<hbm>> -> memref<1x200x64xf32, #tpu.memory_space<hbm>>
    %dma_wait3A_178 = tpu.memref_squeeze %dma_wait3A_177 : memref<1x200x64xf32, #tpu.memory_space<hbm>> -> memref<200x64xf32, #tpu.memory_space<hbm>>
    %dma_wait3A_179 = arith.constant 0 : i32
    %dma_wait3A_180 = arith.constant 0 : i32
    %dma_wait3A_181 = tpu.memref_slice %arg5[%add3A_169, %dma_wait3A_179, %dma_wait3A_180] : memref<1024x200x64xf32, #tpu.memory_space<hbm>> -> memref<1x200x64xf32, #tpu.memory_space<hbm>>
    %dma_wait3A_182 = tpu.memref_squeeze %dma_wait3A_181 : memref<1x200x64xf32, #tpu.memory_space<hbm>> -> memref<200x64xf32, #tpu.memory_space<hbm>>
    %dma_wait3A_183 = arith.constant 0 : i32
    %dma_wait3A_184 = arith.constant 0 : i32
    %dma_wait3A_185 = tpu.memref_slice %arg9[%dma_wait3A_170, %dma_wait3A_183, %dma_wait3A_184] : memref<4x200x64xf32, #tpu.memory_space<vmem>> -> memref<1x200x64xf32, #tpu.memory_space<vmem>>
    %dma_wait3A_186 = tpu.memref_squeeze %dma_wait3A_185 : memref<1x200x64xf32, #tpu.memory_space<vmem>> -> memref<200x64xf32, #tpu.memory_space<vmem>>
    tpu.wait_dma2 semaphore(%arg17 : memref<!tpu.dma_semaphore, #tpu.memory_space<semaphore_mem>>) src(%dma_wait3A_186 : memref<200x64xf32, #tpu.memory_space<vmem>>) dst(%dma_wait3A_182 : memref<200x64xf32, #tpu.memory_space<hbm>>)
    return
  }
}

</mosaic_0001>

<sc_bundles>
// kernel: kernel.3.cloned.1.call-start
scs
__scs_entry_jumppad:
0x0: {  	(pc) =	sbr.rel $0x88, $3  }
0x1: {  	(tag) =	ssettag $0x0;
	lr =	simm.s32 $0x1  }
0x2: {  	[smem:$0x3F9E] =	sst lr;
	_ =	strace $0xD0000000  }
0x3: {  	_ = 	snop  }
0x4: {  	_ = 	snop  }
0x5: {  	_ = 	snop  }
0x6: {  	_ = 	snop  }
0x7: {  	_ = 	snop  }
__scs_overlays_trampoline_lowered:
0x8: {  	[smem:$0x3FAD] =	sst s0  }
0x9: {  	[smem:$0x3FAE] =	sst s1  }
0xa: {  	[smem:$0x3FAF] =	sst s2  }
0xb: {  	[smem:$0x3FB0] =	sst s3  }
0xc: {  	[smem:$0x3FB1] =	sst s4  }
0xd: {  	[smem:$0x3FB2] =	sst s5  }
0xe: {  	[smem:$0x3FB3] =	sst s6  }
0xf: {  	[smem:$0x3FB4] =	sst s7  }
0x10: {  	[smem:$0x3FB5] =	sst s8  }
0x11: {  	[smem:$0x3FB6] =	sst s9;
	s0 =	simm.s32 @!p0 $0x0  }
0x12: {  	s1 =	sld [smem:$0x3F9C];
	s0 =	simm.s32 @p0 $0x1  }
0x13: {  	[smem:$0x3FB7] =	sst s0;
	s0 =	simm.s32 @!p1 $0x0  }
0x14: {  	s2 =	sld [smem:$0x3F9B];
	s0 =	simm.s32 @p1 $0x1  }
0x15: {  	[smem:$0x3FB8] =	sst s0;
	s0 =	simm.s32 @!p2 $0x0  }
0x16: {  	s3 =	sld [smem:$0x3FDB];
	s0 =	simm.s32 @p2 $0x1  }
0x17: {  	s4 =	simm.s32 $0x1BF5;
	[smem:$0x3FBA] =	sst s0  }
0x18: {  	s0 =	sld [smem:$0x3F9D];
	_ =	swait.ge [sflag:s4], $0x0  }
0x19: {  	s7 =	sld [smem:$0x3F9E]  }
0x1a: {  	s8 =	sadd.s32 $0xFFFFE003, lr  }
0x1b: {  	s9 =	sadd.s32 $0xFFFFFEF7, lr;
	s5 =	simm.s32 $0xFFFFFFFF;
	p2 =	slt.u32 s8, $0xFFFFF086  }
0x1c: {  	p1 =	slt.u32 s9, $0xF7A;
	s5 =	simm.s32 @!p2 $0x0  }
0x1d: {  	s5 =	simm.s32 @p1 $0x1;
	p0 =	seq.s32 s7, s2  }
0x1e: {  	s7 =	smul.u32 @!p0 $0xF7A, s2;
	p2 =	seq.s32 @!p0 s5, $0x0  }
0x1f: {  	s9 =	smul.u32 $0xF7A, s1;
	s8 =	simm.s32 @!p0 $0x1BF5;
	p2 =	por !p2, p0  }
0x20: {  	[sflag:s8] =	ssyncset.s32 @!p0 $0xFFFFF086;
	s6 =	sadd.s32 @!p0 s3, s7;
	s7 =	simm.s32 @!p0 $0x108  }
0x21: {  	s3 =	sadd.s32 s3, s9;
	s6 =	sadd.s32 @!p0 $0x88, s6;
	s7 =	simm.s32 @p2 $0x1082  }
0x22: {  	[simem:s7], [sflag:s8] =	dma.local @!p0 [hbm:s6], $0xF7A  }
0x23: {  	s9 =	sor.u32 $0xD0000000, s2;
	s6 =	simm.s32 $0x108;
	_ =	swait.ge @!p0 [sflag:s8], $0x0  }
0x24: {  	s3 =	sadd.s32 $0x88, s3;
	s6 =	simm.s32 @!p1 $0x1082;
	[sflag:s4] =	ssyncset.s32 $0xFFFFF086  }
0x25: {  	[simem:s6], [sflag:s4] =	dma.local [hbm:s3], $0xF7A  }
0x26: {  	[smem:$0x3F9E] =	sst s1;
	(tag) =	ssettag s2;
	_ =	strace s9  }
0x27: {  	s1 =	sld [smem:$0x3FAE]  }
0x28: {  	s2 =	sld [smem:$0x3FAF]  }
0x29: {  	s4 =	sld [smem:$0x3FB1]  }
0x2a: {  	p0 =	seq.s32 s5, $0x0;
	s5 =	sld [smem:$0x3FB2]  }
0x2b: {  	s6 =	sld [smem:$0x3FB3]  }
0x2c: {  	s7 =	sld [smem:$0x3FB4]  }
0x2d: {  	s3 =	simm.s32 $0x108;
	s8 =	sld [smem:$0x3FB5]  }
0x2e: {  	s3 =	simm.s32 @!p0 $0x1082;
	s9 =	sld [smem:$0x3FB6]  }
0x2f: {  	lr =	sadd.s32 s0, s3;
	s0 =	sld [smem:$0x3FAD]  }
0x30: {  	s3 =	sld [smem:$0x3FB0]  }
0x31: {  	[smem:$0x3FB9] =	sst s10  }
0x32: {  	s10 =	sld [smem:$0x3FB7];
	_ =	sdelay $0x3  }
0x33: {  	p0 =	seq.s32 s10, $0x1;
	s10 =	sld [smem:$0x3FB9];
	_ =	sdelay $0x3  }
0x34: {  	[smem:$0x3FB9] =	sst s10  }
0x35: {  	s10 =	sld [smem:$0x3FB8];
	_ =	sdelay $0x3  }
0x36: {  	p1 =	seq.s32 s10, $0x1;
	s10 =	sld [smem:$0x3FB9];
	_ =	sdelay $0x3  }
0x37: {  	[smem:$0x3FB9] =	sst s10  }
0x38: {  	s10 =	sld [smem:$0x3FBA]  }
0x39: {  	_ = 	snop;
	(pc) =	sbr.ind lr, $3  }
0x3a: {  	_ = 	snop  }
0x3b: {  	_ = 	snop  }
0x3c: {  	p2 =	seq.s32 s10, $0x1;
	s10 =	sld [smem:$0x3FB9]  }
0x3d: {  	_ =	shalt  }
0x3e: {  	_ =	shalt  }
0x3f: {  	_ =	shalt  }
0x40: {  	_ =	shalt  }
0x41: {  	_ =	shalt  }
0x42: {  	_ =	shalt  }
0x43: {  	_ =	shalt  }
0x44: {  	_ =	shalt  }
0x45: {  	_ =	shalt  }
0x46: {  	_ =	shalt  }
0x47: {  	_ =	shalt  }
0x48: {  	_ =	shalt  }
0x49: {  	_ =	shalt  }
0x4a: {  	_ =	shalt  }
0x4b: {  	_ =	shalt  }
0x4c: {  	_ =	shalt  }
0x4d: {  	_ =	shalt  }
0x4e: {  	_ =	shalt  }
0x4f: {  	_ =	shalt  }
0x50: {  	_ =	shalt  }
0x51: {  	_ =	shalt  }
0x52: {  	_ =	shalt  }
0x53: {  	_ =	shalt  }
0x54: {  	_ =	shalt  }
0x55: {  	_ =	shalt  }
0x56: {  	_ =	shalt  }
0x57: {  	_ =	shalt  }
0x58: {  	_ =	shalt  }
0x59: {  	_ =	shalt  }
0x5a: {  	_ =	shalt  }
0x5b: {  	_ =	shalt  }
0x5c: {  	_ =	shalt  }
0x5d: {  	_ =	shalt  }
0x5e: {  	_ =	shalt  }
0x5f: {  	_ =	shalt  }
0x60: {  	_ =	shalt  }
0x61: {  	_ =	shalt  }
0x62: {  	_ =	shalt  }
0x63: {  	_ =	shalt  }
0x64: {  	_ =	shalt  }
0x65: {  	_ =	shalt  }
0x66: {  	_ =	shalt  }
0x67: {  	_ =	shalt  }
0x68: {  	_ =	shalt  }
0x69: {  	_ =	shalt  }
0x6a: {  	_ =	shalt  }
0x6b: {  	_ =	shalt  }
0x6c: {  	_ =	shalt  }
0x6d: {  	_ =	shalt  }
0x6e: {  	_ =	shalt  }
0x6f: {  	_ =	shalt  }
0x70: {  	_ =	shalt  }
0x71: {  	_ =	shalt  }
0x72: {  	_ =	shalt  }
0x73: {  	_ =	shalt  }
0x74: {  	_ =	shalt  }
0x75: {  	_ =	shalt  }
0x76: {  	_ =	shalt  }
0x77: {  	_ =	shalt  }
0x78: {  	_ =	shalt  }
0x79: {  	_ =	shalt  }
0x7a: {  	_ =	shalt  }
0x7b: {  	_ =	shalt  }
0x7c: {  	_ =	shalt  }
0x7d: {  	_ =	shalt  }
0x7e: {  	_ =	shalt  }
0x7f: {  	_ =	shalt  }
0x80: {  	_ =	shalt  }
0x81: {  	_ =	shalt  }
0x82: {  	_ =	shalt  }
0x83: {  	_ =	shalt  }
0x84: {  	_ =	shalt  }
0x85: {  	_ =	shalt  }
0x86: {  	_ =	shalt  }
0x87: {  	_ =	shalt  }
.Lfunc_end0:
.L_simem_size_0:
called_computation.1_lowered:
.L_overlay_start_0:
0x88: {  	s2 =	sld [smem:$0x3FD9]  }
0x89: {  	s3 =	sld [smem:$0x3FFE];
	_ =	sdelay $0x1  }
0x8a: {  	s1 =	srdreg.scid  }
0x8b: {  	s0 =	sand.u32 $0x1, s1  }
0x8c: {  	s17 =	sshll.u32 s0, $0xA;
	s2 =	sadd.s32 s3, s2  }
0x8d: {  	s2 =	sadd.s32 s2, s17  }
0x8e: {  	[smem:$0x3FC5] =	sst s2  }
0x8f: {  	_ = 	snop  }
0x90: {  	s2 =	sld [smem:$0x3FD0];
	(tm) =	ssettm $0x1  }
0x91: {  	s18 =	sld [smem:$0x3FFB];
	_ =	sdelay $0x3  }
0x92: {  	_ =	strace s18  }
0x93: {  	s3 =	sld [smem:$0x3FFC];
	_ =	sdelay $0x3  }
0x94: {  	_ =	strace s3  }
0x95: {  	s3 =	sld [smem:$0x3FFD];
	_ =	sdelay $0x3  }
0x96: {  	_ =	strace s3  }
0x97: {  	_ =	strace $0x8FFFFFFF  }
0x98: {  	s19 =	sld [smem:$0x3FDB];
	_ =	sdelay $0x1  }
0x99: {  	s4 =	simm.s32 $_scs_section_size  }
0x9a: {  	s5 =	simm.s32 $_size__tile_overlayer_lowered;
	s6 =	simm.s32 $_tile_overlayer_lowered  }
0x9b: {  	s22 =	simm.s32 $0x1BFF;
	s21 =	sshll.u32 s6, $0x1;
	s3 =	sadd.s32 s4, s19  }
0x9c: {  	s7 =	simm.s32 $0x0;
	s20 =	sshll.u32 s5, $0x1;
	s5 =	sadd.s32 s21, s3  }
0x9d: {  	[timem:s7], [sflag:s22] =	dma.local [hbm:s5], s20  }
0x9e: {  	_ =	swait.ge [sflag:s22], s20  }
0x9f: {  	s4 =	ssub.s32 $0x0, s20;
	[sflag:s22] =	ssyncset.done $0x0  }
0xa0: {  	[sflag:s22] =	ssyncadd.s32 s4;
	_ =	sdelay $0x1  }
0xa1: {  	s23 =	simm.s32 $0x1B8B  }
0xa2: {  	_ =	swait.ge [sflag:s23], $0x1  }
0xa3: {  	[sflag:s23] =	ssyncset.done $0x0  }
0xa4: {  	s25 =	simm.s32 $0x1B8E;
	s24 =	sld [smem:$0x3FFE];
	[sflag:s23] =	ssyncadd.s32 $0xFFFFFFFF  }
0xa5: {  	s26 =	simm.s32 $execute0_lowered;
	[smem:$0x3FD2] =	sst s25  }
0xa6: {  	s5 =	sshll.u32 s26, $0x1;
	_ =	strace $0x80000046;
	[dreg:$0x1] =	wrdreg $0xFFFFFFFF  }
0xa7: {  	s28 =	simm.s32 $_size_execute0_lowered;
	s3 =	sadd.s32 s3, s5;
	[dreg:$0x0] =	wrdreg $0x0  }
0xa8: {  	s5 =	sshll.u32 s28, $0x1;
	[dreg:$0x2] =	wrdreg s3  }
0xa9: {  	[dreg:$0x3] =	wrdreg s5  }
0xaa: {  	[dreg:$0x4] =	wrdreg $0xC0  }
0xab: {  	_ =	task [dreg:s7], $0x5FFFF  }
0xac: {  	[dreg:$0x1] =	wrdreg $0xFFFFFFFF  }
0xad: {  	[dreg:$0x0] =	wrdreg $0x60  }
0xae: {  	[dreg:$0x2] =	wrdreg s24  }
0xaf: {  	[dreg:$0x3] =	wrdreg s2  }
0xb0: {  	[dreg:$0x4] =	wrdreg $0x9  }
0xb1: {  	_ =	task.clear_ibuf [dreg:s7], $0x5FFFF;
	_ =	strace $0x90000046  }
0xb2: {  	s29 =	simm.s32 $0x9;
	_ =	strace $0x80000048  }
0xb3: {  	_ =	swait.ge [sflag:s29], $0x1  }
0xb4: {  	[sflag:s29] =	ssyncadd.s32 $0xFFFFFFFF  }
0xb5: {  	_ =	strace $0x90000048  }
0xb6: {  	_ =	sfence  }
0xb7: {  	s30 =	sld [smem:$0x0];
	_ =	sdelay $0x2  }
0xb8: {  	s31 =	sshll.u32 s1, $0xD;
	s1 =	sshrl.u32 s1, $0x2  }
0xb9: {  	s3 =	sand.u32 $0x4000, s31;
	s1 =	sadd.s32 s1, s30  }
0xba: {  	s0 =	sor.u32 s3, s0;
	s1 =	sshll.u32 s1, $0x11  }
0xbb: {  	s0 =	sor.u32 s1, s0  }
0xbc: {  	s0 =	sadd.s32 $0x8F2B, s0  }
0xbd: {  	[sflag:s0] =	ssyncadd.remote.s32 $0x1  }
0xbe: {  	_ =	sfence.sel $0xFFFF  }
0xbf: {  	[dreg:$0x0] =	wrdreg $0xFFFFFFFF;
	(pc) =	sbr.abs _section_cstart, $3  }
0xc0: {  	[dreg:$0x1] =	wrdreg $0xFFFFFFFF  }
0xc1: {  	_ =	task.clear_ibuf [dreg:s7], $0x2FFFF;
	_ =	strace $0x9FFFFFFF  }
0xc2: {  	(tm) =	ssettm $0x7FFFFFFF  }
0xc3: {  	_ =	shalt  }
tec
execute0_lowered:
.L_overlay_start_1:
0x0: {  	(tag) =	ssettag $0x1  }
0x1: {  	s0 =	srdreg.scid  }
0x2: {  	s2 =	stileid.u32;
	s1 =	rddreg [dreg:$0x0]  }
0x3: {  	s9 =	simm.s32 $0x9;
	s11 =	simm.s32 $0x68;
	s13 =	simm.s32 $0x60  }
0x4: {  	s29 =	simm.s32 $0x1;
	s30 =	simm.s32 $0x11300;
	s31 =	simm.s32 $0x2  }
0x5: {  	s12 =	simm.s32 $0x17700;
	s14 =	simm.s32 $0x4;
	s15 =	simm.s32 $0x1A900  }
0x6: {  	s16 =	simm.s32 $0x5;
	s17 =	simm.s32 $0x6;
	s18 =	simm.s32 $0x7  }
0x7: {  	s19 =	simm.s32 $0x8;
	s20 =	simm.s32 $0x0;
	s0 =	sand.u32 $0x1, s0  }
0x8: {  	s3 =	sshll.u32 s2, $0x1;
	s2 =	rddreg [dreg:$0x1];
	s5 =	sadd.s32 $0x800, s1  }
0x9: {  	s6 =	sor.u32 s0, s3;
	s3 =	simm.s32 $0x0;
	s0 =	ssub.s32 $0x2, s0  }
0xa: {  	s4 =	smul.u32 $0x320, s6;
	[smem:$0x7FF] =	sst s3;
	s28 =	sshrl.u32 s0, $0x1  }
0xb: {  	s6 =	sshll.u32 s6, $0x5;
	_ =	strace $0x80000047;
	s0 =	ssub.s32 s0, s28  }
0xc: {  	s7 =	sadd.s32 s4, s1;
	s4 =	sadd.s32 $0x7400, s1;
	s8 =	smax.u32 s0, $0x1  }
0xd: {  	s1 =	simm.s32 $0x14500;
	s0 =	simm.s32 $0x3;
	s7 =	sadd.s32 $0x1000, s7  }
.LBB2_1:
0xe: {  	[tilespmem:s3], [sflag:$0x9] =	stream.linear.gather [hbm4b:s5+s3], $0x3200, $0x38;
	[tilespmem:$0x1DB00] =	vst v63  }
0xf: {  	_ =	swait.ge [sflag:s9], $0x3200  }
0x10: {  	[sflag:s9] =	ssyncset.done $0x0  }
0x11: {  	s10 =	simm.s32 $0x3200;
	[sflag:s9] =	ssyncadd.s32 $0xFFFFCE00  }
0x12: {  	[tilespmem:s10], [sflag:$0x9] =	stream.linear.gather [hbm4b:s7+s3], $0x1900, $0x38;
	[tilespmem:$0x1DB00] =	vst v63  }
0x13: {  	_ =	swait.ge [sflag:s9], $0x1900  }
0x14: {  	[sflag:s9] =	ssyncset.done $0x0  }
0x15: {  	s21 =	simm.s32 $0x4B00;
	[sflag:s9] =	ssyncadd.s32 $0xFFFFE700  }
0x16: {  	[tilespmem:s21], [sflag:$0x1] =	stream.indirect.gather [hbm4b:s4+s11], $0x40, s10, s11, $0xb8;
	[tilespmem:$0x1DB00] =	vst v63  }
0x17: {  	s26 =	simm.s32 $0x3268;
	s28 =	simm.s32 $0x6500  }
0x18: {  	[tilespmem:s28], [sflag:$0x1] =	stream.indirect.gather [hbm4b:s4+s13], $0x40, s26, s13, $0xb8;
	[tilespmem:$0x1DB00] =	vst v63  }
0x19: {  	s22 =	simm.s32 $0x32C8;
	s23 =	simm.s32 $0x7D00  }
0x1a: {  	[tilespmem:s23], [sflag:$0x2] =	stream.indirect.gather [hbm4b:s4+s11], $0x40, s22, s11, $0xb8;
	[tilespmem:$0x1DB00] =	vst v63  }
0x1b: {  	s24 =	simm.s32 $0x3330;
	s25 =	simm.s32 $0x9700  }
0x1c: {  	[tilespmem:s25], [sflag:$0x2] =	stream.indirect.gather [hbm4b:s4+s13], $0x40, s24, s13, $0xb8;
	[tilespmem:$0x1DB00] =	vst v63  }
0x1d: {  	s26 =	simm.s32 $0x3390;
	s28 =	simm.s32 $0xAF00  }
0x1e: {  	[tilespmem:s28], [sflag:$0x3] =	stream.indirect.gather [hbm4b:s4+s11], $0x40, s26, s11, $0xb8;
	[tilespmem:$0x1DB00] =	vst v63  }
0x1f: {  	s22 =	simm.s32 $0x33F8;
	s23 =	simm.s32 $0xC900  }
0x20: {  	[tilespmem:s23], [sflag:$0x3] =	stream.indirect.gather [hbm4b:s4+s13], $0x40, s22, s13, $0xb8;
	[tilespmem:$0x1DB00] =	vst v63  }
0x21: {  	s24 =	simm.s32 $0x3458;
	s25 =	simm.s32 $0xE100  }
0x22: {  	[tilespmem:s25], [sflag:$0x4] =	stream.indirect.gather [hbm4b:s4+s11], $0x40, s24, s11, $0xb8;
	[tilespmem:$0x1DB00] =	vst v63  }
0x23: {  	s26 =	simm.s32 $0x34C0;
	s28 =	simm.s32 $0xFB00;
	s23 =	simm.s32 $0x0  }
0x24: {  	[tilespmem:s28], [sflag:$0x4] =	stream.indirect.gather [hbm4b:s4+s13], $0x40, s26, s13, $0xb8;
	[tilespmem:$0x1DB00] =	vst v63  }
.LBB2_2:
0x25: {  	_ =	swait.ge [sflag:s29], $0x1A00  }
0x26: {  	[sflag:s29] =	ssyncset.done $0x0  }
0x27: {  	[sflag:s29] =	ssyncadd.s32 $0xFFFFE600  }
0x28: {  	_ =	swait.ge [sflag:s29], $0x1800  }
0x29: {  	p1 =	seq.s32 s23, $0x0;
	[sflag:s29] =	ssyncset.done $0x0  }
0x2a: {  	s10 =	simm.s32 @!p1 $0x5;
	[sflag:s29] =	ssyncadd.s32 $0xFFFFE800  }
0x2b: {  	_ =	swait.ge @!p1 [sflag:s10], $0x3200  }
0x2c: {  	[sflag:s10] =	ssyncset.done @!p1 $0x0  }
0x2d: {  	s28 =	simm.s32 $0x4C00;
	[sflag:s10] =	ssyncadd.s32 @!p1 $0xFFFFCE00  }
0x2e: {  	v0 =	vld [tilespmem:s28+$0xC0]  }
0x2f: {  	s21 =	simm.s32 $0x100;
	v1 =	vld [tilespmem:s28+$0xFFFFFF40]  }
0x30: {  	v2 =	vld [tilespmem:s21+$0xC0]  }
0x31: {  	v3 =	vld [tilespmem:s28+$0xFFFFFF80]  }
0x32: {  	v4 =	vld [tilespmem:s28+$0xFFFFFFC0]  }
0x33: {  	v5 =	vld [tilespmem:s28+$0x0]  }
0x34: {  	v6 =	vld [tilespmem:s28+$0x40]  }
0x35: {  	v8 =	vld [tilespmem:s21+$0xFFFFFF00];
	v0 =	vmul.f32 $8.000000000e+00, v0  }
0x36: {  	v9 =	vld [tilespmem:s21+$0xFFFFFF40]  }
0x37: {  	v12 =	vld [tilespmem:s21+$0xFFFFFFC0];
	v0 =	vadd.f32 v2, v0  }
0x38: {  	s24 =	simm.s32 $0x11400;
	v2 =	vld [tilespmem:s28+$0xFFFFFF00]  }
0x39: {  	v11 =	vld [tilespmem:s21+$0xFFFFFF80];
	v1 =	vmul.f32 $8.000000000e+00, v1;
	[tilespmem:s24+$0xC0] =	vst v0  }
0x3a: {  	v0 =	vld [tilespmem:s28+$0xD0]  }
0x3b: {  	v7 =	vld [tilespmem:s28+$0x80];
	v4 =	vmul.f32 $8.000000000e+00, v4;
	v1 =	vadd.f32 v9, v1  }
0x3c: {  	v3 =	vmul.f32 $8.000000000e+00, v3;
	v10 =	vld [tilespmem:s21+$0xD0]  }
0x3d: {  	v9 =	vld [tilespmem:s21+$0x40];
	v4 =	vadd.f32 v12, v4;
	[tilespmem:s24+$0xFFFFFF40] =	vst v1;
	v2 =	vmul.f32 $8.000000000e+00, v2  }
0x3e: {  	v1 =	vadd.f32 v11, v3;
	v3 =	vmul.f32 $8.000000000e+00, v5;
	v5 =	vld [tilespmem:s28+$0xFFFFFF50]  }
0x3f: {  	[tilespmem:s24+$0xFFFFFFC0] =	vst v4;
	v2 =	vadd.f32 v8, v2;
	v8 =	vld [tilespmem:s21+$0x0];
	v0 =	vmul.f32 $8.000000000e+00, v0  }
0x40: {  	v11 =	vld [tilespmem:s21+$0xFFFFFFD0]  }
0x41: {  	[tilespmem:s24+$0xFFFFFF00] =	vst v2;
	v2 =	vld [tilespmem:s21+$0x80];
	v0 =	vadd.f32 v10, v0  }
0x42: {  	[tilespmem:s24+$0xFFFFFF80] =	vst v1;
	v10 =	vld [tilespmem:s28+$0xFFFFFF10]  }
0x43: {  	[tilespmem:s24+$0xD0] =	vst v0;
	v0 =	vmul.f32 $8.000000000e+00, v6;
	v6 =	vmul.f32 $8.000000000e+00, v7;
	v7 =	vld [tilespmem:s28+$0xFFFFFF90]  }
0x44: {  	v3 =	vadd.f32 v8, v3;
	v8 =	vld [tilespmem:s21+$0xFFFFFF10]  }
0x45: {  	v1 =	vld [tilespmem:s28+$0xE0]  }
0x46: {  	v4 =	vld [tilespmem:s21+$0xE0]  }
0x47: {  	v0 =	vadd.f32 v9, v0;
	v9 =	vld [tilespmem:s21+$0xFFFFFF90]  }
0x48: {  	[tilespmem:s24+$0x0] =	vst v3;
	v2 =	vadd.f32 v2, v6;
	v3 =	vld [tilespmem:s28+$0xFFFFFFD0]  }
0x49: {  	v10 =	vmul.f32 $8.000000000e+00, v10;
	[tilespmem:s24+$0x40] =	vst v0;
	v0 =	vld [tilespmem:s28+$0x10]  }
0x4a: {  	[tilespmem:s24+$0x80] =	vst v2;
	v2 =	vld [tilespmem:s28+$0x50];
	v7 =	vmul.f32 $8.000000000e+00, v7  }
0x4b: {  	v6 =	vld [tilespmem:s28+$0x90];
	v8 =	vadd.f32 v8, v10;
	v1 =	vmul.f32 $8.000000000e+00, v1  }
0x4c: {  	v10 =	vld [tilespmem:s21+$0x10];
	v7 =	vadd.f32 v9, v7  }
0x4d: {  	[tilespmem:s24+$0xFFFFFF10] =	vst v8;
	v8 =	vld [tilespmem:s21+$0x90];
	v1 =	vadd.f32 v4, v1  }
0x4e: {  	v3 =	vmul.f32 $8.000000000e+00, v3;
	v4 =	vld [tilespmem:s21+$0xFFFFFF50];
	[tilespmem:s24+$0xFFFFFF90] =	vst v7  }
0x4f: {  	[tilespmem:s24+$0xE0] =	vst v1;
	v9 =	vld [tilespmem:s28+$0xFFFFFFA0]  }
0x50: {  	v0 =	vmul.f32 $8.000000000e+00, v0;
	v3 =	vadd.f32 v11, v3;
	v1 =	vld [tilespmem:s28+$0xF0]  }
0x51: {  	v62 =	vld [tilespmem:s21+$0xF0]  }
0x52: {  	v5 =	vmul.f32 $8.000000000e+00, v5;
	[tilespmem:s24+$0xFFFFFFD0] =	vst v3;
	v0 =	vadd.f32 v10, v0;
	v10 =	vld [tilespmem:s21+$0xFFFFFFA0]  }
0x53: {  	v3 =	vld [tilespmem:s28+$0xFFFFFFE0]  }
0x54: {  	v6 =	vmul.f32 $8.000000000e+00, v6;
	v4 =	vadd.f32 v4, v5;
	v5 =	vld [tilespmem:s21+$0x50]  }
0x55: {  	v11 =	vld [tilespmem:s21+$0xFFFFFFE0];
	[tilespmem:s24+$0x10] =	vst v0  }
0x56: {  	v0 =	vadd.f32 v8, v6;
	v6 =	vld [tilespmem:s28+$0x20]  }
0x57: {  	v2 =	vmul.f32 $8.000000000e+00, v2;
	[tilespmem:s24+$0xFFFFFF50] =	vst v4;
	v4 =	vld [tilespmem:s28+$0xFFFFFF20]  }
0x58: {  	v7 =	vld [tilespmem:s28+$0xFFFFFF60]  }
0x59: {  	[tilespmem:s24+$0x90] =	vst v0;
	v2 =	vadd.f32 v5, v2;
	v5 =	vld [tilespmem:s21+$0xFFFFFF20]  }
0x5a: {  	v0 =	vld [tilespmem:s28+$0xA0];
	v3 =	vmul.f32 $8.000000000e+00, v3  }
0x5b: {  	v8 =	vld [tilespmem:s21+$0xFFFFFF60];
	[tilespmem:s24+$0x50] =	vst v2  }
0x5c: {  	v3 =	vadd.f32 v11, v3;
	v4 =	vmul.f32 $8.000000000e+00, v4;
	v2 =	vld [tilespmem:s28+$0x60]  }
0x5d: {  	v13 =	vld [tilespmem:s21+$0x60]  }
0x5e: {  	v7 =	vmul.f32 $8.000000000e+00, v7;
	[tilespmem:s24+$0xFFFFFFE0] =	vst v3;
	v4 =	vadd.f32 v5, v4;
	v5 =	vld [tilespmem:s21+$0x20]  }
0x5f: {  	v9 =	vmul.f32 $8.000000000e+00, v9;
	v3 =	vld [tilespmem:s28+$0xFFFFFFF0]  }
0x60: {  	[tilespmem:s24+$0xFFFFFF20] =	vst v4;
	v4 =	vadd.f32 v8, v7;
	v7 =	vld [tilespmem:s21+$0xA0]  }
0x61: {  	v6 =	vmul.f32 $8.000000000e+00, v6;
	v8 =	vadd.f32 v10, v9;
	v9 =	vld [tilespmem:s28+$0xFFFFFF30]  }
0x62: {  	v2 =	vmul.f32 $8.000000000e+00, v2;
	[tilespmem:s24+$0xFFFFFF60] =	vst v4;
	v4 =	vld [tilespmem:s21+$0xFFFFFF30]  }
0x63: {  	v0 =	vmul.f32 $8.000000000e+00, v0;
	[tilespmem:s24+$0xFFFFFFA0] =	vst v8;
	v10 =	vld [tilespmem:s28+$0xFFFFFF70];
	v5 =	vadd.f32 v5, v6  }
0x64: {  	v6 =	vld [tilespmem:s28+$0xFFFFFFB0];
	v2 =	vadd.f32 v13, v2  }
0x65: {  	v14 =	vld [tilespmem:s21+$0xFFFFFF70];
	[tilespmem:s24+$0x20] =	vst v5;
	v0 =	vadd.f32 v7, v0  }
0x66: {  	[tilespmem:s24+$0x60] =	vst v2;
	v11 =	vld [tilespmem:s28+$0x30]  }
0x67: {  	v1 =	vmul.f32 $8.000000000e+00, v1;
	v63 =	vld [tilespmem:s28+$0x70];
	[tilespmem:s24+$0xA0] =	vst v0  }
0x68: {  	v0 =	vld [tilespmem:s28+$0xB0]  }
0x69: {  	v8 =	vadd.f32 v62, v1;
	v5 =	vld [tilespmem:s21+$0xFFFFFFB0];
	v2 =	vmul.f32 $8.000000000e+00, v9  }
0x6a: {  	v1 =	vld [tilespmem:s21+$0xFFFFFFF0]  }
0x6b: {  	[tilespmem:s24+$0xF0] =	vst v8;
	v8 =	vmul.f32 $8.000000000e+00, v3;
	v9 =	vadd.f32 v4, v2;
	v10 =	vmul.f32 $8.000000000e+00, v10;
	v2 =	vld [tilespmem:s21+$0x30]  }
0x6c: {  	v3 =	vld [tilespmem:s21+$0x70];
	v7 =	vmul.f32 $8.000000000e+00, v6;
	v4 =	vmul.f32 $8.000000000e+00, v11  }
0x6d: {  	s22 =	sshll.u32 s23, $0x2;
	s25 =	simm.s32 $0x0;
	s26 =	simm.s32 $0x4E00;
	[tilespmem:s24+$0xFFFFFF30] =	vst v9;
	v10 =	vadd.f32 v14, v10;
	v9 =	vld [tilespmem:s21+$0xB0];
	v6 =	vmul.f32 $8.000000000e+00, v63;
	v0 =	vmul.f32 $8.000000000e+00, v0  }
.LBB2_3:
0x6e: {  	v11 =	vld [tilespmem:s26+$0xC0];
	s25 =	sadd.s32 $0x8, s25;
	v5 =	vadd.f32 v5, v7  }
0x6f: {  	s21 =	sadd.s32 $0x200, s21;
	v7 =	vld [tilespmem:s26+$0xFFFFFF40];
	p0 =	slt.u32 s25, $0xC0;
	[tilespmem:s24+$0xFFFFFF70] =	vst v10;
	v1 =	vadd.f32 v1, v8  }
0x70: {  	v8 =	vld [tilespmem:s21+$0xC0];
	[tilespmem:s24+$0xFFFFFFB0] =	vst v5;
	v2 =	vadd.f32 v2, v4  }
0x71: {  	v4 =	vld [tilespmem:s26+$0xFFFFFF80];
	[tilespmem:s24+$0xFFFFFFF0] =	vst v1;
	v1 =	vadd.f32 v3, v6  }
0x72: {  	v3 =	vld [tilespmem:s26+$0xFFFFFFC0];
	[tilespmem:s24+$0x30] =	vst v2;
	v0 =	vadd.f32 v9, v0  }
0x73: {  	v2 =	vld [tilespmem:s26+$0x0];
	v5 =	vmul.f32 $8.000000000e+00, v11;
	[tilespmem:s24+$0x70] =	vst v1  }
0x74: {  	v1 =	vmul.f32 $8.000000000e+00, v7;
	v6 =	vld [tilespmem:s26+$0x40];
	[tilespmem:s24+$0xB0] =	vst v0  }
0x75: {  	v0 =	vld [tilespmem:s26+$0x80];
	v5 =	vadd.f32 v8, v5  }
0x76: {  	s24 =	sadd.s32 $0x200, s24;
	v7 =	vld [tilespmem:s26+$0xFFFFFF00];
	v4 =	vmul.f32 $8.000000000e+00, v4  }
0x77: {  	v8 =	vld [tilespmem:s21+$0xFFFFFF00];
	v3 =	vmul.f32 $8.000000000e+00, v3;
	[tilespmem:s24+$0xC0] =	vst v5  }
0x78: {  	v2 =	vmul.f32 $8.000000000e+00, v2;
	v5 =	vld [tilespmem:s26+$0xD0]  }
0x79: {  	v9 =	vld [tilespmem:s21+$0xFFFFFF40];
	v6 =	vmul.f32 $8.000000000e+00, v6  }
0x7a: {  	v0 =	vmul.f32 $8.000000000e+00, v0;
	v10 =	vld [tilespmem:s21+$0xD0]  }
0x7b: {  	v7 =	vmul.f32 $8.000000000e+00, v7;
	v11 =	vld [tilespmem:s21+$0xFFFFFF80]  }
0x7c: {  	v12 =	vld [tilespmem:s21+$0xFFFFFFC0]  }
0x7d: {  	v7 =	vadd.f32 v8, v7;
	v8 =	vld [tilespmem:s21+$0x0];
	v5 =	vmul.f32 $8.000000000e+00, v5  }
0x7e: {  	v1 =	vadd.f32 v9, v1;
	v9 =	vld [tilespmem:s21+$0x40]  }
0x7f: {  	[tilespmem:s24+$0xFFFFFF00] =	vst v7;
	v7 =	vld [tilespmem:s21+$0x80];
	v5 =	vadd.f32 v10, v5  }
0x80: {  	v10 =	vld [tilespmem:s26+$0xFFFFFF10];
	[tilespmem:s24+$0xFFFFFF40] =	vst v1;
	v1 =	vadd.f32 v11, v4  }
0x81: {  	v4 =	vld [tilespmem:s26+$0xFFFFFF50];
	v3 =	vadd.f32 v12, v3;
	[tilespmem:s24+$0xD0] =	vst v5  }
0x82: {  	[tilespmem:s24+$0xFFFFFF80] =	vst v1;
	v1 =	vadd.f32 v8, v2;
	v2 =	vld [tilespmem:s26+$0xE0]  }
0x83: {  	v5 =	vld [tilespmem:s26+$0xFFFFFF90];
	[tilespmem:s24+$0xFFFFFFC0] =	vst v3;
	v3 =	vadd.f32 v9, v6  }
0x84: {  	[tilespmem:s24+$0x0] =	vst v1;
	v0 =	vadd.f32 v7, v0;
	v1 =	vld [tilespmem:s21+$0xE0]  }
0x85: {  	v6 =	vmul.f32 $8.000000000e+00, v10;
	v7 =	vld [tilespmem:s26+$0xFFFFFFD0];
	[tilespmem:s24+$0x40] =	vst v3  }
0x86: {  	v3 =	vmul.f32 $8.000000000e+00, v4;
	v4 =	vld [tilespmem:s26+$0x10];
	[tilespmem:s24+$0x80] =	vst v0  }
0x87: {  	v0 =	vld [tilespmem:s26+$0x50];
	v2 =	vmul.f32 $8.000000000e+00, v2  }
0x88: {  	v5 =	vmul.f32 $8.000000000e+00, v5;
	v8 =	vld [tilespmem:s26+$0x90]  }
0x89: {  	v9 =	vld [tilespmem:s21+$0xFFFFFF10];
	v1 =	vadd.f32 v1, v2  }
0x8a: {  	v2 =	vld [tilespmem:s21+$0xFFFFFF50];
	v7 =	vmul.f32 $8.000000000e+00, v7  }
0x8b: {  	v10 =	vld [tilespmem:s21+$0xFFFFFF90];
	v4 =	vmul.f32 $8.000000000e+00, v4;
	[tilespmem:s24+$0xE0] =	vst v1  }
0x8c: {  	v0 =	vmul.f32 $8.000000000e+00, v0;
	v1 =	vld [tilespmem:s26+$0xF0]  }
0x8d: {  	v11 =	vld [tilespmem:s21+$0xFFFFFFD0];
	v8 =	vmul.f32 $8.000000000e+00, v8  }
0x8e: {  	v6 =	vadd.f32 v9, v6;
	v9 =	vld [tilespmem:s21+$0xF0]  }
0x8f: {  	v2 =	vadd.f32 v2, v3;
	v3 =	vld [tilespmem:s21+$0x10]  }
0x90: {  	[tilespmem:s24+$0xFFFFFF10] =	vst v6;
	v5 =	vadd.f32 v10, v5;
	v6 =	vld [tilespmem:s21+$0x50]  }
0x91: {  	[tilespmem:s24+$0xFFFFFF50] =	vst v2;
	v2 =	vld [tilespmem:s21+$0x90];
	v1 =	vmul.f32 $8.000000000e+00, v1  }
0x92: {  	v10 =	vld [tilespmem:s26+$0xFFFFFF20];
	[tilespmem:s24+$0xFFFFFF90] =	vst v5;
	v5 =	vadd.f32 v11, v7  }
0x93: {  	v7 =	vld [tilespmem:s26+$0xFFFFFF60];
	v1 =	vadd.f32 v9, v1  }
0x94: {  	v9 =	vld [tilespmem:s26+$0xFFFFFFA0];
	[tilespmem:s24+$0xFFFFFFD0] =	vst v5;
	v3 =	vadd.f32 v3, v4  }
0x95: {  	v4 =	vld [tilespmem:s26+$0xFFFFFFE0];
	v0 =	vadd.f32 v6, v0;
	[tilespmem:s24+$0xF0] =	vst v1  }
0x96: {  	v1 =	vld [tilespmem:s21+$0xFFFFFF20];
	[tilespmem:s24+$0x10] =	vst v3;
	v2 =	vadd.f32 v2, v8  }
0x97: {  	v3 =	vmul.f32 $8.000000000e+00, v10;
	v5 =	vld [tilespmem:s26+$0x20];
	[tilespmem:s24+$0x50] =	vst v0  }
0x98: {  	v0 =	vmul.f32 $8.000000000e+00, v7;
	v6 =	vld [tilespmem:s26+$0x60];
	[tilespmem:s24+$0x90] =	vst v2  }
0x99: {  	v2 =	vmul.f32 $8.000000000e+00, v9;
	v7 =	vld [tilespmem:s26+$0xA0]  }
0x9a: {  	v8 =	vld [tilespmem:s21+$0xFFFFFF60];
	v4 =	vmul.f32 $8.000000000e+00, v4  }
0x9b: {  	v1 =	vadd.f32 v1, v3;
	v3 =	vld [tilespmem:s21+$0xFFFFFFA0]  }
0x9c: {  	v9 =	vld [tilespmem:s21+$0xFFFFFFE0];
	v5 =	vmul.f32 $8.000000000e+00, v5  }
0x9d: {  	[tilespmem:s24+$0xFFFFFF20] =	vst v1;
	v1 =	vld [tilespmem:s21+$0x20];
	v6 =	vmul.f32 $8.000000000e+00, v6  }
0x9e: {  	v10 =	vld [tilespmem:s21+$0x60];
	v7 =	vmul.f32 $8.000000000e+00, v7  }
0x9f: {  	v0 =	vadd.f32 v8, v0;
	v8 =	vld [tilespmem:s21+$0xA0]  }
0xa0: {  	v11 =	vld [tilespmem:s26+$0xFFFFFF30];
	v2 =	vadd.f32 v3, v2  }
0xa1: {  	v3 =	vld [tilespmem:s21+$0xFFFFFF30];
	[tilespmem:s24+$0xFFFFFF60] =	vst v0;
	v0 =	vadd.f32 v9, v4  }
0xa2: {  	v4 =	vld [tilespmem:s26+$0xFFFFFF70];
	[tilespmem:s24+$0xFFFFFFA0] =	vst v2;
	v1 =	vadd.f32 v1, v5  }
0xa3: {  	v2 =	vld [tilespmem:s26+$0xFFFFFFB0];
	[tilespmem:s24+$0xFFFFFFE0] =	vst v0;
	v0 =	vadd.f32 v10, v6  }
0xa4: {  	v6 =	vld [tilespmem:s26+$0xFFFFFFF0];
	[tilespmem:s24+$0x20] =	vst v1;
	v1 =	vadd.f32 v8, v7  }
0xa5: {  	v5 =	vmul.f32 $8.000000000e+00, v11;
	v9 =	vld [tilespmem:s26+$0x30];
	[tilespmem:s24+$0x60] =	vst v0  }
0xa6: {  	v0 =	vld [tilespmem:s26+$0x70];
	[tilespmem:s24+$0xA0] =	vst v1  }
0xa7: {  	v1 =	vadd.f32 v3, v5;
	v10 =	vmul.f32 $8.000000000e+00, v4;
	v11 =	vld [tilespmem:s26+$0xB0]  }
0xa8: {  	v12 =	vld [tilespmem:s21+$0xFFFFFF70];
	v7 =	vmul.f32 $8.000000000e+00, v2  }
.Ltmp0:
0xa9: {  	[tilespmem:s24+$0xFFFFFF30] =	vst v1;
	v5 =	vld [tilespmem:s21+$0xFFFFFFB0];
	v8 =	vmul.f32 $8.000000000e+00, v6;
	(pc) =	sbr.rel @p0 .LBB2_3-.Ltmp0, $4  }
0xaa: {  	v1 =	vld [tilespmem:s21+$0xFFFFFFF0];
	v4 =	vmul.f32 $8.000000000e+00, v9  }
0xab: {  	v2 =	vld [tilespmem:s21+$0x30];
	v6 =	vmul.f32 $8.000000000e+00, v0  }
0xac: {  	v3 =	vld [tilespmem:s21+$0x70];
	v0 =	vmul.f32 $8.000000000e+00, v11  }
0xad: {  	s26 =	sadd.s32 $0x200, s26;
	v10 =	vadd.f32 v12, v10;
	v9 =	vld [tilespmem:s21+$0xB0]  }
0xae: {  	v5 =	vadd.f32 v5, v7  }
0xaf: {  	[tilespmem:s24+$0xFFFFFF70] =	vst v10;
	v1 =	vadd.f32 v1, v8  }
0xb0: {  	p0 =	seq.s32 s23, $0x7;
	[tilespmem:s24+$0xFFFFFFB0] =	vst v5;
	v2 =	vadd.f32 v2, v4  }
0xb1: {  	s10 =	smul.u32 @!p0 $0xC80, s23;
	[tilespmem:s24+$0xFFFFFFF0] =	vst v1;
	v1 =	vadd.f32 v3, v6  }
0xb2: {  	[tilespmem:s24+$0x30] =	vst v2;
	v0 =	vadd.f32 v9, v0  }
0xb3: {  	s21 =	sshra.s32 @!p0 s10, $0x2;
	[tilespmem:s24+$0x70] =	vst v1  }
0xb4: {  	s25 =	simm.s32 @!p0 $0x4B00;
	s10 =	sadd.s32 @!p0 $0x3520, s21;
	[tilespmem:s24+$0xB0] =	vst v0;
	s24 =	simm.s32 @!p0 $0x68  }
0xb5: {  	[tilespmem:s25], [sflag:$0x1] =	stream.indirect.gather @!p0 [hbm4b:s4+s24], $0x40, s10, s24, $0xb8;
	[tilespmem:$0x1DB00] =	vst v63  }
0xb6: {  	s26 =	simm.s32 @!p0 $0x6500;
	s24 =	sadd.s32 s6, s22  }
0xb7: {  	s10 =	sadd.s32 @!p0 $0x3588, s21;
	s25 =	simm.s32 @!p0 $0x60;
	s24 =	smul.u32 $0x640, s24  }
0xb8: {  	[tilespmem:s26], [sflag:$0x1] =	stream.indirect.gather @!p0 [hbm4b:s4+s25], $0x40, s10, s25, $0xb8;
	[tilespmem:$0x1DB00] =	vst v63  }
0xb9: {  	s25 =	sadd.s32 s2, s24  }
0xba: {  	[hbm4b:s25+s3] =	stream.linear.scatter [tilespmem:s30], [sflag:$0x5], $0x3200, $0x38;
	[tilespmem:$0x1DB00] =	vst v63  }
0xbb: {  	_ =	swait.ge [sflag:s31], $0x1A00  }
0xbc: {  	[sflag:s31] =	ssyncset.done $0x0  }
0xbd: {  	[sflag:s31] =	ssyncadd.s32 $0xFFFFE600  }
0xbe: {  	_ =	swait.ge [sflag:s31], $0x1800  }
0xbf: {  	[sflag:s31] =	ssyncset.done $0x0  }
0xc0: {  	s10 =	simm.s32 @!p1 $0x6;
	[sflag:s31] =	ssyncadd.s32 $0xFFFFE800  }
0xc1: {  	_ =	swait.ge @!p1 [sflag:s10], $0x3200  }
0xc2: {  	[sflag:s10] =	ssyncset.done @!p1 $0x0  }
0xc3: {  	s26 =	simm.s32 $0x7EF0;
	[sflag:s10] =	ssyncadd.s32 @!p1 $0xFFFFCE00  }
0xc4: {  	v0 =	vld [tilespmem:s26+$0xFFFFFFD0]  }
0xc5: {  	s25 =	simm.s32 $0x100;
	v1 =	vld [tilespmem:s26+$0xFFFFFE50]  }
0xc6: {  	v2 =	vld [tilespmem:s25+$0xC0]  }
0xc7: {  	v3 =	vld [tilespmem:s26+$0xFFFFFE90]  }
0xc8: {  	v4 =	vld [tilespmem:s26+$0xFFFFFED0]  }
0xc9: {  	v5 =	vld [tilespmem:s26+$0xFFFFFF10]  }
0xca: {  	v6 =	vld [tilespmem:s26+$0xFFFFFF50]  }
0xcb: {  	v8 =	vld [tilespmem:s25+$0xFFFFFF00];
	v0 =	vmul.f32 $8.000000000e+00, v0  }
0xcc: {  	v9 =	vld [tilespmem:s25+$0xFFFFFF40]  }
0xcd: {  	v12 =	vld [tilespmem:s25+$0xFFFFFFC0];
	v0 =	vadd.f32 v2, v0  }
0xce: {  	s24 =	simm.s32 $0x146F0;
	v2 =	vld [tilespmem:s26+$0xFFFFFE10]  }
0xcf: {  	v11 =	vld [tilespmem:s25+$0xFFFFFF80];
	v1 =	vmul.f32 $8.000000000e+00, v1;
	[tilespmem:s24+$0xFFFFFFD0] =	vst v0  }
0xd0: {  	v0 =	vld [tilespmem:s26+$0xFFFFFFE0]  }
0xd1: {  	v7 =	vld [tilespmem:s26+$0xFFFFFF90];
	v4 =	vmul.f32 $8.000000000e+00, v4;
	v1 =	vadd.f32 v9, v1  }
0xd2: {  	v3 =	vmul.f32 $8.000000000e+00, v3;
	v10 =	vld [tilespmem:s25+$0xD0]  }
0xd3: {  	v9 =	vld [tilespmem:s25+$0x40];
	v4 =	vadd.f32 v12, v4;
	[tilespmem:s24+$0xFFFFFE50] =	vst v1;
	v2 =	vmul.f32 $8.000000000e+00, v2  }
0xd4: {  	v1 =	vadd.f32 v11, v3;
	v3 =	vmul.f32 $8.000000000e+00, v5;
	v5 =	vld [tilespmem:s26+$0xFFFFFE60]  }
0xd5: {  	[tilespmem:s24+$0xFFFFFED0] =	vst v4;
	v2 =	vadd.f32 v8, v2;
	v8 =	vld [tilespmem:s25+$0x0];
	v0 =	vmul.f32 $8.000000000e+00, v0  }
0xd6: {  	v11 =	vld [tilespmem:s25+$0xFFFFFFD0]  }
0xd7: {  	[tilespmem:s24+$0xFFFFFE10] =	vst v2;
	v2 =	vld [tilespmem:s25+$0x80];
	v0 =	vadd.f32 v10, v0  }
0xd8: {  	[tilespmem:s24+$0xFFFFFE90] =	vst v1;
	v10 =	vld [tilespmem:s26+$0xFFFFFE20]  }
0xd9: {  	[tilespmem:s24+$0xFFFFFFE0] =	vst v0;
	v0 =	vmul.f32 $8.000000000e+00, v6;
	v6 =	vmul.f32 $8.000000000e+00, v7;
	v7 =	vld [tilespmem:s26+$0xFFFFFEA0]  }
0xda: {  	v3 =	vadd.f32 v8, v3;
	v8 =	vld [tilespmem:s25+$0xFFFFFF10]  }
0xdb: {  	v1 =	vld [tilespmem:s26+$0xFFFFFFF0]  }
0xdc: {  	v4 =	vld [tilespmem:s25+$0xE0]  }
0xdd: {  	v0 =	vadd.f32 v9, v0;
	v9 =	vld [tilespmem:s25+$0xFFFFFF90]  }
0xde: {  	[tilespmem:s24+$0xFFFFFF10] =	vst v3;
	v2 =	vadd.f32 v2, v6;
	v3 =	vld [tilespmem:s26+$0xFFFFFEE0]  }
0xdf: {  	v10 =	vmul.f32 $8.000000000e+00, v10;
	[tilespmem:s24+$0xFFFFFF50] =	vst v0;
	v0 =	vld [tilespmem:s26+$0xFFFFFF20]  }
0xe0: {  	[tilespmem:s24+$0xFFFFFF90] =	vst v2;
	v2 =	vld [tilespmem:s26+$0xFFFFFF60];
	v7 =	vmul.f32 $8.000000000e+00, v7  }
0xe1: {  	v6 =	vld [tilespmem:s26+$0xFFFFFFA0];
	v8 =	vadd.f32 v8, v10;
	v1 =	vmul.f32 $8.000000000e+00, v1  }
0xe2: {  	v10 =	vld [tilespmem:s25+$0x10];
	v7 =	vadd.f32 v9, v7  }
0xe3: {  	[tilespmem:s24+$0xFFFFFE20] =	vst v8;
	v8 =	vld [tilespmem:s25+$0x90];
	v1 =	vadd.f32 v4, v1  }
0xe4: {  	v3 =	vmul.f32 $8.000000000e+00, v3;
	v4 =	vld [tilespmem:s25+$0xFFFFFF50];
	[tilespmem:s24+$0xFFFFFEA0] =	vst v7  }
0xe5: {  	[tilespmem:s24+$0xFFFFFFF0] =	vst v1;
	v9 =	vld [tilespmem:s26+$0xFFFFFEB0]  }
0xe6: {  	v0 =	vmul.f32 $8.000000000e+00, v0;
	v3 =	vadd.f32 v11, v3;
	v1 =	vld [tilespmem:s26+$0x0]  }
0xe7: {  	v62 =	vld [tilespmem:s25+$0xF0]  }
0xe8: {  	v5 =	vmul.f32 $8.000000000e+00, v5;
	[tilespmem:s24+$0xFFFFFEE0] =	vst v3;
	v0 =	vadd.f32 v10, v0;
	v10 =	vld [tilespmem:s25+$0xFFFFFFA0]  }
0xe9: {  	v3 =	vld [tilespmem:s26+$0xFFFFFEF0]  }
0xea: {  	v6 =	vmul.f32 $8.000000000e+00, v6;
	v4 =	vadd.f32 v4, v5;
	v5 =	vld [tilespmem:s25+$0x50]  }
0xeb: {  	v11 =	vld [tilespmem:s25+$0xFFFFFFE0];
	[tilespmem:s24+$0xFFFFFF20] =	vst v0  }
0xec: {  	v0 =	vadd.f32 v8, v6;
	v6 =	vld [tilespmem:s26+$0xFFFFFF30]  }
0xed: {  	v2 =	vmul.f32 $8.000000000e+00, v2;
	[tilespmem:s24+$0xFFFFFE60] =	vst v4;
	v4 =	vld [tilespmem:s26+$0xFFFFFE30]  }
0xee: {  	v7 =	vld [tilespmem:s26+$0xFFFFFE70]  }
0xef: {  	[tilespmem:s24+$0xFFFFFFA0] =	vst v0;
	v2 =	vadd.f32 v5, v2;
	v5 =	vld [tilespmem:s25+$0xFFFFFF20]  }
0xf0: {  	v0 =	vld [tilespmem:s26+$0xFFFFFFB0];
	v3 =	vmul.f32 $8.000000000e+00, v3  }
0xf1: {  	v8 =	vld [tilespmem:s25+$0xFFFFFF60];
	[tilespmem:s24+$0xFFFFFF60] =	vst v2  }
0xf2: {  	v3 =	vadd.f32 v11, v3;
	v4 =	vmul.f32 $8.000000000e+00, v4;
	v2 =	vld [tilespmem:s26+$0xFFFFFF70]  }
0xf3: {  	v13 =	vld [tilespmem:s25+$0x60]  }
0xf4: {  	v7 =	vmul.f32 $8.000000000e+00, v7;
	[tilespmem:s24+$0xFFFFFEF0] =	vst v3;
	v4 =	vadd.f32 v5, v4;
	v5 =	vld [tilespmem:s25+$0x20]  }
0xf5: {  	v9 =	vmul.f32 $8.000000000e+00, v9;
	v3 =	vld [tilespmem:s26+$0xFFFFFF00]  }
0xf6: {  	[tilespmem:s24+$0xFFFFFE30] =	vst v4;
	v4 =	vadd.f32 v8, v7;
	v7 =	vld [tilespmem:s25+$0xA0]  }
0xf7: {  	v6 =	vmul.f32 $8.000000000e+00, v6;
	v8 =	vadd.f32 v10, v9;
	v9 =	vld [tilespmem:s26+$0xFFFFFE40]  }
0xf8: {  	v2 =	vmul.f32 $8.000000000e+00, v2;
	[tilespmem:s24+$0xFFFFFE70] =	vst v4;
	v4 =	vld [tilespmem:s25+$0xFFFFFF30]  }
0xf9: {  	v0 =	vmul.f32 $8.000000000e+00, v0;
	[tilespmem:s24+$0xFFFFFEB0] =	vst v8;
	v10 =	vld [tilespmem:s26+$0xFFFFFE80];
	v5 =	vadd.f32 v5, v6  }
0xfa: {  	v6 =	vld [tilespmem:s26+$0xFFFFFEC0];
	v2 =	vadd.f32 v13, v2  }
0xfb: {  	v63 =	vld [tilespmem:s25+$0xFFFFFF70];
	[tilespmem:s24+$0xFFFFFF30] =	vst v5;
	v0 =	vadd.f32 v7, v0  }
0xfc: {  	[tilespmem:s24+$0xFFFFFF70] =	vst v2;
	v5 =	vld [tilespmem:s26+$0xFFFFFF40]  }
0xfd: {  	v7 =	vld [tilespmem:s26+$0xFFFFFF80];
	[tilespmem:s24+$0xFFFFFFB0] =	vst v0  }
0xfe: {  	v0 =	vmul.f32 $8.000000000e+00, v1;
	v11 =	vld [tilespmem:s26+$0xFFFFFFC0]  }
0xff: {  	v2 =	vld [tilespmem:s25+$0xFFFFFFB0];
	v1 =	vmul.f32 $8.000000000e+00, v9  }
0x100: {  	v8 =	vadd.f32 v62, v0;
	v0 =	vld [tilespmem:s25+$0xFFFFFFF0]  }
0x101: {  	v10 =	vmul.f32 $8.000000000e+00, v10;
	v6 =	vmul.f32 $8.000000000e+00, v6;
	v9 =	vadd.f32 v4, v1;
	v1 =	vld [tilespmem:s25+$0x30]  }
0x102: {  	s28 =	simm.s32 $0x0;
	v4 =	vld [tilespmem:s25+$0x70];
	[tilespmem:s24+$0x0] =	vst v8;
	v8 =	vmul.f32 $8.000000000e+00, v3;
	v3 =	vmul.f32 $8.000000000e+00, v5  }
0x103: {  	s23 =	sadd.s32 $0x1, s23;
	s10 =	simm.s32 $0x80F0;
	s26 =	sor.u32 $0x1, s22;
	v10 =	vadd.f32 v63, v10;
	[tilespmem:s24+$0xFFFFFE40] =	vst v9;
	v7 =	vmul.f32 $8.000000000e+00, v7;
	v9 =	vld [tilespmem:s25+$0xB0];
	v5 =	vmul.f32 $8.000000000e+00, v11  }
.LBB2_5:
0x104: {  	v11 =	vld [tilespmem:s10+$0xFFFFFFD0];
	s28 =	sadd.s32 $0x8, s28;
	v2 =	vadd.f32 v2, v6  }
0x105: {  	s25 =	sadd.s32 $0x200, s25;
	v6 =	vld [tilespmem:s10+$0xFFFFFE50];
	p2 =	slt.u32 s28, $0xC0;
	[tilespmem:s24+$0xFFFFFE80] =	vst v10;
	v0 =	vadd.f32 v0, v8  }
0x106: {  	v8 =	vld [tilespmem:s25+$0xC0];
	[tilespmem:s24+$0xFFFFFEC0] =	vst v2;
	v1 =	vadd.f32 v1, v3  }
0x107: {  	v2 =	vld [tilespmem:s10+$0xFFFFFE90];
	[tilespmem:s24+$0xFFFFFF00] =	vst v0;
	v0 =	vadd.f32 v4, v7  }
0x108: {  	v3 =	vld [tilespmem:s10+$0xFFFFFED0];
	[tilespmem:s24+$0xFFFFFF40] =	vst v1;
	v1 =	vadd.f32 v9, v5  }
0x109: {  	v4 =	vld [tilespmem:s10+$0xFFFFFF10];
	v5 =	vmul.f32 $8.000000000e+00, v11;
	[tilespmem:s24+$0xFFFFFF80] =	vst v0  }
0x10a: {  	v0 =	vmul.f32 $8.000000000e+00, v6;
	v6 =	vld [tilespmem:s10+$0xFFFFFF50];
	[tilespmem:s24+$0xFFFFFFC0] =	vst v1  }
0x10b: {  	v1 =	vld [tilespmem:s10+$0xFFFFFF90];
	v5 =	vadd.f32 v8, v5  }
0x10c: {  	s24 =	sadd.s32 $0x200, s24;
	v7 =	vld [tilespmem:s10+$0xFFFFFE10];
	v2 =	vmul.f32 $8.000000000e+00, v2  }
0x10d: {  	v8 =	vld [tilespmem:s25+$0xFFFFFF00];
	v3 =	vmul.f32 $8.000000000e+00, v3;
	[tilespmem:s24+$0xFFFFFFD0] =	vst v5  }
0x10e: {  	v4 =	vmul.f32 $8.000000000e+00, v4;
	v5 =	vld [tilespmem:s10+$0xFFFFFFE0]  }
0x10f: {  	v9 =	vld [tilespmem:s25+$0xFFFFFF40];
	v6 =	vmul.f32 $8.000000000e+00, v6  }
0x110: {  	v1 =	vmul.f32 $8.000000000e+00, v1;
	v10 =	vld [tilespmem:s25+$0xD0]  }
0x111: {  	v7 =	vmul.f32 $8.000000000e+00, v7;
	v11 =	vld [tilespmem:s25+$0xFFFFFF80]  }
0x112: {  	v12 =	vld [tilespmem:s25+$0xFFFFFFC0]  }
0x113: {  	v7 =	vadd.f32 v8, v7;
	v8 =	vld [tilespmem:s25+$0x0];
	v5 =	vmul.f32 $8.000000000e+00, v5  }
0x114: {  	v0 =	vadd.f32 v9, v0;
	v9 =	vld [tilespmem:s25+$0x40]  }
0x115: {  	[tilespmem:s24+$0xFFFFFE10] =	vst v7;
	v7 =	vld [tilespmem:s25+$0x80];
	v5 =	vadd.f32 v10, v5  }
0x116: {  	v10 =	vld [tilespmem:s10+$0xFFFFFE20];
	[tilespmem:s24+$0xFFFFFE50] =	vst v0;
	v0 =	vadd.f32 v11, v2  }
0x117: {  	v2 =	vld [tilespmem:s10+$0xFFFFFE60];
	v3 =	vadd.f32 v12, v3;
	[tilespmem:s24+$0xFFFFFFE0] =	vst v5  }
0x118: {  	[tilespmem:s24+$0xFFFFFE90] =	vst v0;
	v0 =	vadd.f32 v8, v4;
	v4 =	vld [tilespmem:s10+$0xFFFFFFF0]  }
0x119: {  	v5 =	vld [tilespmem:s10+$0xFFFFFEA0];
	[tilespmem:s24+$0xFFFFFED0] =	vst v3;
	v3 =	vadd.f32 v9, v6  }
0x11a: {  	[tilespmem:s24+$0xFFFFFF10] =	vst v0;
	v0 =	vadd.f32 v7, v1;
	v1 =	vld [tilespmem:s25+$0xE0]  }
0x11b: {  	v6 =	vmul.f32 $8.000000000e+00, v10;
	v7 =	vld [tilespmem:s10+$0xFFFFFEE0];
	[tilespmem:s24+$0xFFFFFF50] =	vst v3  }
0x11c: {  	v2 =	vmul.f32 $8.000000000e+00, v2;
	v3 =	vld [tilespmem:s10+$0xFFFFFF20];
	[tilespmem:s24+$0xFFFFFF90] =	vst v0  }
0x11d: {  	v0 =	vld [tilespmem:s10+$0xFFFFFF60];
	v4 =	vmul.f32 $8.000000000e+00, v4  }
0x11e: {  	v5 =	vmul.f32 $8.000000000e+00, v5;
	v8 =	vld [tilespmem:s10+$0xFFFFFFA0]  }
0x11f: {  	v9 =	vld [tilespmem:s25+$0xFFFFFF10];
	v1 =	vadd.f32 v1, v4  }
0x120: {  	v4 =	vld [tilespmem:s25+$0xFFFFFF50];
	v7 =	vmul.f32 $8.000000000e+00, v7  }
0x121: {  	v10 =	vld [tilespmem:s25+$0xFFFFFF90];
	v3 =	vmul.f32 $8.000000000e+00, v3;
	[tilespmem:s24+$0xFFFFFFF0] =	vst v1  }
0x122: {  	v0 =	vmul.f32 $8.000000000e+00, v0;
	v1 =	vld [tilespmem:s10+$0x0]  }
0x123: {  	v11 =	vld [tilespmem:s25+$0xFFFFFFD0];
	v8 =	vmul.f32 $8.000000000e+00, v8  }
0x124: {  	v6 =	vadd.f32 v9, v6;
	v9 =	vld [tilespmem:s25+$0xF0]  }
0x125: {  	v2 =	vadd.f32 v4, v2;
	v4 =	vld [tilespmem:s25+$0x10]  }
0x126: {  	[tilespmem:s24+$0xFFFFFE20] =	vst v6;
	v5 =	vadd.f32 v10, v5;
	v6 =	vld [tilespmem:s25+$0x50]  }
0x127: {  	[tilespmem:s24+$0xFFFFFE60] =	vst v2;
	v2 =	vld [tilespmem:s25+$0x90];
	v1 =	vmul.f32 $8.000000000e+00, v1  }
0x128: {  	v10 =	vld [tilespmem:s10+$0xFFFFFE30];
	[tilespmem:s24+$0xFFFFFEA0] =	vst v5;
	v5 =	vadd.f32 v11, v7  }
0x129: {  	v7 =	vld [tilespmem:s10+$0xFFFFFE70];
	v1 =	vadd.f32 v9, v1  }
0x12a: {  	v9 =	vld [tilespmem:s10+$0xFFFFFEB0];
	[tilespmem:s24+$0xFFFFFEE0] =	vst v5;
	v3 =	vadd.f32 v4, v3  }
0x12b: {  	v4 =	vld [tilespmem:s10+$0xFFFFFEF0];
	v0 =	vadd.f32 v6, v0;
	[tilespmem:s24+$0x0] =	vst v1  }
0x12c: {  	v1 =	vld [tilespmem:s25+$0xFFFFFF20];
	[tilespmem:s24+$0xFFFFFF20] =	vst v3;
	v2 =	vadd.f32 v2, v8  }
0x12d: {  	v3 =	vmul.f32 $8.000000000e+00, v10;
	v5 =	vld [tilespmem:s10+$0xFFFFFF30];
	[tilespmem:s24+$0xFFFFFF60] =	vst v0  }
0x12e: {  	v0 =	vmul.f32 $8.000000000e+00, v7;
	v6 =	vld [tilespmem:s10+$0xFFFFFF70];
	[tilespmem:s24+$0xFFFFFFA0] =	vst v2  }
0x12f: {  	v2 =	vmul.f32 $8.000000000e+00, v9;
	v7 =	vld [tilespmem:s10+$0xFFFFFFB0]  }
0x130: {  	v8 =	vld [tilespmem:s25+$0xFFFFFF60];
	v4 =	vmul.f32 $8.000000000e+00, v4  }
0x131: {  	v1 =	vadd.f32 v1, v3;
	v3 =	vld [tilespmem:s25+$0xFFFFFFA0]  }
0x132: {  	v9 =	vld [tilespmem:s25+$0xFFFFFFE0];
	v5 =	vmul.f32 $8.000000000e+00, v5  }
0x133: {  	[tilespmem:s24+$0xFFFFFE30] =	vst v1;
	v1 =	vld [tilespmem:s25+$0x20];
	v6 =	vmul.f32 $8.000000000e+00, v6  }
0x134: {  	v10 =	vld [tilespmem:s25+$0x60];
	v7 =	vmul.f32 $8.000000000e+00, v7  }
0x135: {  	v0 =	vadd.f32 v8, v0;
	v8 =	vld [tilespmem:s25+$0xA0]  }
0x136: {  	v11 =	vld [tilespmem:s10+$0xFFFFFE40];
	v2 =	vadd.f32 v3, v2  }
0x137: {  	v3 =	vld [tilespmem:s25+$0xFFFFFF30];
	[tilespmem:s24+$0xFFFFFE70] =	vst v0;
	v0 =	vadd.f32 v9, v4  }
0x138: {  	v4 =	vld [tilespmem:s10+$0xFFFFFE80];
	[tilespmem:s24+$0xFFFFFEB0] =	vst v2;
	v1 =	vadd.f32 v1, v5  }
0x139: {  	v2 =	vld [tilespmem:s10+$0xFFFFFEC0];
	[tilespmem:s24+$0xFFFFFEF0] =	vst v0;
	v0 =	vadd.f32 v10, v6  }
0x13a: {  	v5 =	vld [tilespmem:s10+$0xFFFFFF00];
	[tilespmem:s24+$0xFFFFFF30] =	vst v1;
	v1 =	vadd.f32 v8, v7  }
0x13b: {  	v6 =	vmul.f32 $8.000000000e+00, v11;
	v7 =	vld [tilespmem:s10+$0xFFFFFF40];
	[tilespmem:s24+$0xFFFFFF70] =	vst v0  }
0x13c: {  	v9 =	vld [tilespmem:s10+$0xFFFFFF80];
	[tilespmem:s24+$0xFFFFFFB0] =	vst v1  }
0x13d: {  	v0 =	vadd.f32 v3, v6;
	v10 =	vmul.f32 $8.000000000e+00, v4;
	v11 =	vld [tilespmem:s10+$0xFFFFFFC0]  }
0x13e: {  	v12 =	vld [tilespmem:s25+$0xFFFFFF70];
	v6 =	vmul.f32 $8.000000000e+00, v2  }
.Ltmp1:
0x13f: {  	[tilespmem:s24+$0xFFFFFE40] =	vst v0;
	v2 =	vld [tilespmem:s25+$0xFFFFFFB0];
	v8 =	vmul.f32 $8.000000000e+00, v5;
	(pc) =	sbr.rel @p2 .LBB2_5-.Ltmp1, $4  }
0x140: {  	v0 =	vld [tilespmem:s25+$0xFFFFFFF0];
	v3 =	vmul.f32 $8.000000000e+00, v7  }
0x141: {  	v1 =	vld [tilespmem:s25+$0x30];
	v7 =	vmul.f32 $8.000000000e+00, v9  }
0x142: {  	v4 =	vld [tilespmem:s25+$0x70];
	v5 =	vmul.f32 $8.000000000e+00, v11  }
0x143: {  	s10 =	sadd.s32 $0x200, s10;
	v10 =	vadd.f32 v12, v10;
	v9 =	vld [tilespmem:s25+$0xB0]  }
0x144: {  	v2 =	vadd.f32 v2, v6  }
0x145: {  	[tilespmem:s24+$0xFFFFFE80] =	vst v10;
	v0 =	vadd.f32 v0, v8  }
0x146: {  	[tilespmem:s24+$0xFFFFFEC0] =	vst v2;
	v1 =	vadd.f32 v1, v3  }
0x147: {  	[tilespmem:s24+$0xFFFFFF00] =	vst v0;
	v0 =	vadd.f32 v4, v7  }
0x148: {  	[tilespmem:s24+$0xFFFFFF40] =	vst v1;
	v1 =	vadd.f32 v9, v5  }
0x149: {  	s10 =	sadd.s32 @!p0 $0x35E8, s21;
	s25 =	simm.s32 @!p0 $0x7D00;
	[tilespmem:s24+$0xFFFFFF80] =	vst v0  }
0x14a: {  	s28 =	sadd.s32 s6, s26;
	s26 =	simm.s32 @!p0 $0x9700;
	[tilespmem:s24+$0xFFFFFFC0] =	vst v1;
	s24 =	simm.s32 @!p0 $0x68  }
0x14b: {  	[tilespmem:s25], [sflag:$0x2] =	stream.indirect.gather @!p0 [hbm4b:s4+s24], $0x40, s10, s24, $0xb8;
	[tilespmem:$0x1DB00] =	vst v63  }
0x14c: {  	s10 =	sadd.s32 @!p0 $0x3650, s21;
	s25 =	simm.s32 @!p0 $0x60;
	s24 =	smul.u32 $0x640, s28  }
0x14d: {  	[tilespmem:s26], [sflag:$0x2] =	stream.indirect.gather @!p0 [hbm4b:s4+s25], $0x40, s10, s25, $0xb8;
	[tilespmem:$0x1DB00] =	vst v63  }
0x14e: {  	s28 =	sadd.s32 s2, s24  }
0x14f: {  	[hbm4b:s28+s3] =	stream.linear.scatter [tilespmem:s1], [sflag:$0x6], $0x3200, $0x38;
	[tilespmem:$0x1DB00] =	vst v63  }
0x150: {  	_ =	swait.ge [sflag:s0], $0x1A00  }
0x151: {  	[sflag:s0] =	ssyncset.done $0x0  }
0x152: {  	[sflag:s0] =	ssyncadd.s32 $0xFFFFE600  }
0x153: {  	_ =	swait.ge [sflag:s0], $0x1800  }
0x154: {  	[sflag:s0] =	ssyncset.done $0x0  }
0x155: {  	s10 =	simm.s32 @!p1 $0x7;
	[sflag:s0] =	ssyncadd.s32 $0xFFFFE800  }
0x156: {  	_ =	swait.ge @!p1 [sflag:s10], $0x3200  }
0x157: {  	[sflag:s10] =	ssyncset.done @!p1 $0x0  }
0x158: {  	s24 =	simm.s32 $0x0;
	[sflag:s10] =	ssyncadd.s32 @!p1 $0xFFFFCE00  }
0x159: {  	v0 =	vld [tilespmem:s24+$0xB0F0]  }
0x15a: {  	v1 =	vld [tilespmem:s24+$0xAF00]  }
0x15b: {  	v2 =	vld [tilespmem:s24+$0x1F0]  }
0x15c: {  	v3 =	vld [tilespmem:s24+$0xAF10]  }
0x15d: {  	v4 =	vld [tilespmem:s24+$0xAF20]  }
0x15e: {  	v5 =	vld [tilespmem:s24+$0xAF30]  }
0x15f: {  	v6 =	vld [tilespmem:s24+$0xAF40]  }
0x160: {  	v7 =	vld [tilespmem:s24+$0xAF50]  }
0x161: {  	v8 =	vld [tilespmem:s24+$0xAF60]  }
0x162: {  	v9 =	vld [tilespmem:s24+$0xAF70]  }
0x163: {  	v10 =	vld [tilespmem:s24+$0xAF80]  }
0x164: {  	v11 =	vld [tilespmem:s24+$0xAF90]  }
0x165: {  	v12 =	vld [tilespmem:s24+$0xAFA0]  }
0x166: {  	v13 =	vld [tilespmem:s24+$0xAFB0]  }
0x167: {  	v14 =	vld [tilespmem:s24+$0xAFC0]  }
0x168: {  	v15 =	vld [tilespmem:s24+$0xAFD0]  }
0x169: {  	v16 =	vld [tilespmem:s24+$0xAFE0]  }
0x16a: {  	v17 =	vld [tilespmem:s24+$0xAFF0]  }
0x16b: {  	v18 =	vld [tilespmem:s24+$0xB000]  }
0x16c: {  	v19 =	vld [tilespmem:s24+$0xB010]  }
0x16d: {  	v20 =	vld [tilespmem:s24+$0xB020]  }
0x16e: {  	v21 =	vld [tilespmem:s24+$0xB030]  }
0x16f: {  	v22 =	vld [tilespmem:s24+$0xB040]  }
0x170: {  	v23 =	vld [tilespmem:s24+$0xB050]  }
0x171: {  	v24 =	vld [tilespmem:s24+$0xB060]  }
0x172: {  	v25 =	vld [tilespmem:s24+$0xB070]  }
0x173: {  	v26 =	vld [tilespmem:s24+$0xB080]  }
0x174: {  	v27 =	vld [tilespmem:s24+$0xB0A0]  }
0x175: {  	v28 =	vld [tilespmem:s24+$0xB0C0]  }
0x176: {  	v29 =	vld [tilespmem:s24+$0xB0D0]  }
0x177: {  	v30 =	vld [tilespmem:s24+$0xB0E0]  }
0x178: {  	v31 =	vld [tilespmem:s24+$0x0]  }
0x179: {  	v32 =	vld [tilespmem:s24+$0x10]  }
0x17a: {  	v33 =	vld [tilespmem:s24+$0x20]  }
0x17b: {  	v34 =	vld [tilespmem:s24+$0x30]  }
0x17c: {  	v35 =	vld [tilespmem:s24+$0x40];
	v0 =	vmul.f32 $8.000000000e+00, v0  }
0x17d: {  	v61 =	vld [tilespmem:s24+$0x50];
	v1 =	vmul.f32 $8.000000000e+00, v1  }
0x17e: {  	v62 =	vld [tilespmem:s24+$0x60];
	v3 =	vmul.f32 $8.000000000e+00, v3;
	v0 =	vadd.f32 v2, v0  }
0x17f: {  	v4 =	vmul.f32 $8.000000000e+00, v4;
	v2 =	vld [tilespmem:s24+$0xB090];
	v1 =	vadd.f32 v31, v1  }
0x180: {  	v5 =	vmul.f32 $8.000000000e+00, v5;
	v3 =	vadd.f32 v32, v3;
	[tilespmem:s24+$0x178F0] =	vst v0;
	v0 =	vld [tilespmem:s24+$0xB0B0]  }
0x181: {  	v6 =	vmul.f32 $8.000000000e+00, v6;
	[tilespmem:s24+$0x17700] =	vst v1;
	v1 =	vadd.f32 v33, v4;
	v4 =	vld [tilespmem:s24+$0x70]  }
0x182: {  	v7 =	vmul.f32 $8.000000000e+00, v7;
	[tilespmem:s24+$0x17710] =	vst v3;
	v3 =	vadd.f32 v34, v5;
	v5 =	vld [tilespmem:s24+$0x80]  }
0x183: {  	v8 =	vmul.f32 $8.000000000e+00, v8;
	[tilespmem:s24+$0x17720] =	vst v1;
	v1 =	vadd.f32 v35, v6;
	v6 =	vld [tilespmem:s24+$0x90]  }
0x184: {  	v9 =	vmul.f32 $8.000000000e+00, v9;
	[tilespmem:s24+$0x17730] =	vst v3;
	v3 =	vadd.f32 v61, v7;
	v7 =	vld [tilespmem:s24+$0xA0]  }
0x185: {  	v10 =	vmul.f32 $8.000000000e+00, v10;
	[tilespmem:s24+$0x17740] =	vst v1;
	v1 =	vadd.f32 v62, v8;
	v8 =	vld [tilespmem:s24+$0xB0]  }
0x186: {  	v11 =	vmul.f32 $8.000000000e+00, v11;
	[tilespmem:s24+$0x17750] =	vst v3;
	v3 =	vadd.f32 v4, v9;
	v4 =	vld [tilespmem:s24+$0xC0]  }
0x187: {  	v9 =	vmul.f32 $8.000000000e+00, v12;
	[tilespmem:s24+$0x17760] =	vst v1;
	v1 =	vadd.f32 v5, v10;
	v5 =	vld [tilespmem:s24+$0xD0]  }
0x188: {  	v10 =	vmul.f32 $8.000000000e+00, v13;
	[tilespmem:s24+$0x17770] =	vst v3;
	v3 =	vadd.f32 v6, v11;
	v6 =	vld [tilespmem:s24+$0xE0]  }
0x189: {  	v11 =	vmul.f32 $8.000000000e+00, v14;
	[tilespmem:s24+$0x17780] =	vst v1;
	v1 =	vadd.f32 v7, v9;
	v7 =	vld [tilespmem:s24+$0xF0]  }
0x18a: {  	v9 =	vmul.f32 $8.000000000e+00, v15;
	[tilespmem:s24+$0x17790] =	vst v3;
	v3 =	vadd.f32 v8, v10;
	v8 =	vld [tilespmem:s24+$0x100]  }
0x18b: {  	v10 =	vmul.f32 $8.000000000e+00, v16;
	[tilespmem:s24+$0x177A0] =	vst v1;
	v1 =	vadd.f32 v4, v11;
	v4 =	vld [tilespmem:s24+$0x110]  }
0x18c: {  	v11 =	vmul.f32 $8.000000000e+00, v17;
	[tilespmem:s24+$0x177B0] =	vst v3;
	v3 =	vadd.f32 v5, v9;
	v5 =	vld [tilespmem:s24+$0x120]  }
0x18d: {  	v9 =	vmul.f32 $8.000000000e+00, v18;
	[tilespmem:s24+$0x177C0] =	vst v1;
	v1 =	vadd.f32 v6, v10;
	v6 =	vld [tilespmem:s24+$0x130]  }
0x18e: {  	v10 =	vmul.f32 $8.000000000e+00, v19;
	[tilespmem:s24+$0x177D0] =	vst v3;
	v3 =	vadd.f32 v7, v11;
	v7 =	vld [tilespmem:s24+$0x140]  }
0x18f: {  	v11 =	vmul.f32 $8.000000000e+00, v20;
	[tilespmem:s24+$0x177E0] =	vst v1;
	v1 =	vadd.f32 v8, v9;
	v8 =	vld [tilespmem:s24+$0x150]  }
0x190: {  	v9 =	vmul.f32 $8.000000000e+00, v21;
	[tilespmem:s24+$0x177F0] =	vst v3;
	v3 =	vadd.f32 v4, v10;
	v10 =	vld [tilespmem:s24+$0x160]  }
0x191: {  	v4 =	vmul.f32 $8.000000000e+00, v22;
	[tilespmem:s24+$0x17800] =	vst v1;
	v1 =	vadd.f32 v5, v11;
	v11 =	vld [tilespmem:s24+$0x170]  }
0x192: {  	v12 =	vmul.f32 $8.000000000e+00, v23;
	v13 =	vld [tilespmem:s24+$0x180];
	[tilespmem:s24+$0x17810] =	vst v3;
	v3 =	vadd.f32 v6, v9  }
0x193: {  	v9 =	vmul.f32 $8.000000000e+00, v24;
	v6 =	vld [tilespmem:s24+$0x190];
	[tilespmem:s24+$0x17820] =	vst v1;
	v15 =	vadd.f32 v7, v4  }
0x194: {  	v63 =	vmul.f32 $8.000000000e+00, v26;
	v14 =	vmul.f32 $8.000000000e+00, v25;
	v7 =	vld [tilespmem:s24+$0x1A0];
	[tilespmem:s24+$0x17830] =	vst v3;
	v3 =	vadd.f32 v8, v12  }
0x195: {  	v5 =	vmul.f32 $8.000000000e+00, v2;
	v2 =	vmul.f32 $8.000000000e+00, v28;
	v8 =	vld [tilespmem:s24+$0x1B0];
	[tilespmem:s24+$0x17840] =	vst v15;
	v10 =	vadd.f32 v10, v9  }
0x196: {  	v4 =	vmul.f32 $8.000000000e+00, v27;
	v1 =	vmul.f32 $8.000000000e+00, v0;
	v9 =	vld [tilespmem:s24+$0x1C0];
	[tilespmem:s24+$0x17850] =	vst v3;
	v12 =	vadd.f32 v11, v14  }
0x197: {  	s25 =	sor.u32 $0x2, s22;
	s26 =	simm.s32 $0x0;
	s10 =	simm.s32 $0x800;
	v0 =	vmul.f32 $8.000000000e+00, v29;
	v3 =	vmul.f32 $8.000000000e+00, v30;
	v11 =	vadd.f32 v13, v63;
	[tilespmem:s24+$0x17860] =	vst v10;
	v10 =	vld [tilespmem:s24+$0x1D0]  }
.LBB2_7:
0x198: {  	s28 =	sshra.s32 s10, $0x2;
	s26 =	sadd.s32 $0x8, s26;
	[tilespmem:s24+$0x17870] =	vst v12;
	v5 =	vadd.f32 v6, v5;
	v6 =	vld [tilespmem:s24+$0x1E0]  }
0x199: {  	v12 =	vld [tilespmem:s28+$0xB0F0];
	p2 =	slt.u32 s26, $0xC0;
	[tilespmem:s24+$0x17880] =	vst v11;
	v4 =	vadd.f32 v7, v4  }
0x19a: {  	v7 =	vld [tilespmem:s28+$0xAF00];
	[tilespmem:s24+$0x17890] =	vst v5;
	v1 =	vadd.f32 v8, v1  }
0x19b: {  	v5 =	vld [tilespmem:s28+$0x1F0];
	[tilespmem:s24+$0x178A0] =	vst v4;
	v2 =	vadd.f32 v9, v2  }
0x19c: {  	v4 =	vld [tilespmem:s28+$0xAF10];
	[tilespmem:s24+$0x178B0] =	vst v1;
	v0 =	vadd.f32 v10, v0  }
0x19d: {  	v1 =	vld [tilespmem:s28+$0xAF20];
	[tilespmem:s24+$0x178C0] =	vst v2;
	v2 =	vadd.f32 v6, v3  }
0x19e: {  	v3 =	vld [tilespmem:s28+$0xAF30];
	v6 =	vmul.f32 $8.000000000e+00, v12;
	[tilespmem:s24+$0x178D0] =	vst v0  }
0x19f: {  	v7 =	vmul.f32 $8.000000000e+00, v7;
	v0 =	vld [tilespmem:s28+$0xAF40];
	[tilespmem:s24+$0x178E0] =	vst v2;
	s24 =	smov.u32 s28  }
0x1a0: {  	v2 =	vld [tilespmem:s24+$0xAF50];
	v5 =	vadd.f32 v5, v6  }
0x1a1: {  	v6 =	vmul.f32 $8.000000000e+00, v4;
	v4 =	vld [tilespmem:s24+$0xAF60]  }
0x1a2: {  	v8 =	vmul.f32 $8.000000000e+00, v1;
	v1 =	vld [tilespmem:s24+$0xAF70];
	[tilespmem:s24+$0x178F0] =	vst v5  }
0x1a3: {  	v9 =	vmul.f32 $8.000000000e+00, v3;
	v3 =	vld [tilespmem:s24+$0xAF80]  }
0x1a4: {  	v10 =	vmul.f32 $8.000000000e+00, v0;
	v0 =	vld [tilespmem:s24+$0xAF90]  }
0x1a5: {  	v11 =	vmul.f32 $8.000000000e+00, v2;
	v2 =	vld [tilespmem:s24+$0xAFA0]  }
0x1a6: {  	v12 =	vmul.f32 $8.000000000e+00, v4;
	v4 =	vld [tilespmem:s24+$0xAFB0]  }
0x1a7: {  	v13 =	vmul.f32 $8.000000000e+00, v1;
	v1 =	vld [tilespmem:s24+$0xAFC0]  }
0x1a8: {  	v14 =	vmul.f32 $8.000000000e+00, v3;
	v3 =	vld [tilespmem:s24+$0xAFD0]  }
0x1a9: {  	v15 =	vmul.f32 $8.000000000e+00, v0;
	v0 =	vld [tilespmem:s24+$0xAFE0]  }
0x1aa: {  	v16 =	vmul.f32 $8.000000000e+00, v2;
	v2 =	vld [tilespmem:s24+$0xAFF0]  }
0x1ab: {  	v17 =	vmul.f32 $8.000000000e+00, v4;
	v4 =	vld [tilespmem:s24+$0xB000]  }
0x1ac: {  	v18 =	vmul.f32 $8.000000000e+00, v1;
	v1 =	vld [tilespmem:s24+$0xB010]  }
0x1ad: {  	v19 =	vmul.f32 $8.000000000e+00, v3;
	v3 =	vld [tilespmem:s24+$0xB020]  }
0x1ae: {  	v20 =	vmul.f32 $8.000000000e+00, v0;
	v0 =	vld [tilespmem:s24+$0xB030]  }
0x1af: {  	v21 =	vmul.f32 $8.000000000e+00, v2;
	v2 =	vld [tilespmem:s24+$0xB040]  }
0x1b0: {  	v22 =	vmul.f32 $8.000000000e+00, v4;
	v4 =	vld [tilespmem:s24+$0xB050]  }
0x1b1: {  	v23 =	vmul.f32 $8.000000000e+00, v1;
	v1 =	vld [tilespmem:s24+$0xB060]  }
0x1b2: {  	v24 =	vmul.f32 $8.000000000e+00, v3;
	v3 =	vld [tilespmem:s24+$0xB070]  }
0x1b3: {  	v25 =	vmul.f32 $8.000000000e+00, v0;
	v0 =	vld [tilespmem:s24+$0xB080]  }
0x1b4: {  	v26 =	vmul.f32 $8.000000000e+00, v2;
	v2 =	vld [tilespmem:s24+$0xB090]  }
0x1b5: {  	v27 =	vmul.f32 $8.000000000e+00, v4;
	v4 =	vld [tilespmem:s24+$0xB0A0]  }
0x1b6: {  	v28 =	vmul.f32 $8.000000000e+00, v1;
	v1 =	vld [tilespmem:s24+$0xB0B0]  }
0x1b7: {  	v29 =	vmul.f32 $8.000000000e+00, v3;
	v3 =	vld [tilespmem:s24+$0xB0C0]  }
0x1b8: {  	v30 =	vmul.f32 $8.000000000e+00, v0;
	v0 =	vld [tilespmem:s24+$0xB0D0]  }
0x1b9: {  	v5 =	vmul.f32 $8.000000000e+00, v2;
	v31 =	vld [tilespmem:s24+$0xB0E0]  }
0x1ba: {  	v32 =	vld [tilespmem:s24+$0x0];
	v4 =	vmul.f32 $8.000000000e+00, v4  }
0x1bb: {  	v33 =	vld [tilespmem:s24+$0x10];
	v1 =	vmul.f32 $8.000000000e+00, v1  }
0x1bc: {  	v34 =	vld [tilespmem:s24+$0x20];
	v2 =	vmul.f32 $8.000000000e+00, v3  }
0x1bd: {  	v35 =	vld [tilespmem:s24+$0x30];
	v0 =	vmul.f32 $8.000000000e+00, v0  }
0x1be: {  	v36 =	vld [tilespmem:s24+$0x40];
	v3 =	vmul.f32 $8.000000000e+00, v31  }
0x1bf: {  	v7 =	vadd.f32 v32, v7;
	v31 =	vld [tilespmem:s24+$0x50]  }
0x1c0: {  	v6 =	vadd.f32 v33, v6;
	v32 =	vld [tilespmem:s24+$0x60]  }
0x1c1: {  	[tilespmem:s24+$0x17700] =	vst v7;
	v7 =	vadd.f32 v34, v8;
	v8 =	vld [tilespmem:s24+$0x70]  }
0x1c2: {  	[tilespmem:s24+$0x17710] =	vst v6;
	v6 =	vadd.f32 v35, v9;
	v9 =	vld [tilespmem:s24+$0x80]  }
0x1c3: {  	[tilespmem:s24+$0x17720] =	vst v7;
	v7 =	vadd.f32 v36, v10;
	v10 =	vld [tilespmem:s24+$0x90]  }
0x1c4: {  	[tilespmem:s24+$0x17730] =	vst v6;
	v6 =	vadd.f32 v31, v11;
	v11 =	vld [tilespmem:s24+$0xA0]  }
0x1c5: {  	[tilespmem:s24+$0x17740] =	vst v7;
	v7 =	vadd.f32 v32, v12;
	v12 =	vld [tilespmem:s24+$0xB0]  }
0x1c6: {  	[tilespmem:s24+$0x17750] =	vst v6;
	v6 =	vadd.f32 v8, v13;
	v8 =	vld [tilespmem:s24+$0xC0]  }
0x1c7: {  	[tilespmem:s24+$0x17760] =	vst v7;
	v7 =	vadd.f32 v9, v14;
	v9 =	vld [tilespmem:s24+$0xD0]  }
0x1c8: {  	[tilespmem:s24+$0x17770] =	vst v6;
	v6 =	vadd.f32 v10, v15;
	v10 =	vld [tilespmem:s24+$0xE0]  }
0x1c9: {  	[tilespmem:s24+$0x17780] =	vst v7;
	v7 =	vadd.f32 v11, v16;
	v11 =	vld [tilespmem:s24+$0xF0]  }
0x1ca: {  	[tilespmem:s24+$0x17790] =	vst v6;
	v6 =	vadd.f32 v12, v17;
	v12 =	vld [tilespmem:s24+$0x100]  }
0x1cb: {  	[tilespmem:s24+$0x177A0] =	vst v7;
	v7 =	vadd.f32 v8, v18;
	v8 =	vld [tilespmem:s24+$0x110]  }
0x1cc: {  	[tilespmem:s24+$0x177B0] =	vst v6;
	v6 =	vadd.f32 v9, v19;
	v9 =	vld [tilespmem:s24+$0x120]  }
0x1cd: {  	[tilespmem:s24+$0x177C0] =	vst v7;
	v7 =	vadd.f32 v10, v20;
	v10 =	vld [tilespmem:s24+$0x130]  }
0x1ce: {  	[tilespmem:s24+$0x177D0] =	vst v6;
	v6 =	vadd.f32 v11, v21;
	v11 =	vld [tilespmem:s24+$0x140]  }
0x1cf: {  	[tilespmem:s24+$0x177E0] =	vst v7;
	v7 =	vadd.f32 v12, v22;
	v12 =	vld [tilespmem:s24+$0x150]  }
0x1d0: {  	[tilespmem:s24+$0x177F0] =	vst v6;
	v6 =	vadd.f32 v8, v23;
	v8 =	vld [tilespmem:s24+$0x160]  }
0x1d1: {  	[tilespmem:s24+$0x17800] =	vst v7;
	v7 =	vadd.f32 v9, v24;
	v9 =	vld [tilespmem:s24+$0x170]  }
0x1d2: {  	[tilespmem:s24+$0x17810] =	vst v6;
	v10 =	vadd.f32 v10, v25;
	v13 =	vld [tilespmem:s24+$0x180]  }
.Ltmp2:
0x1d3: {  	[tilespmem:s24+$0x17820] =	vst v7;
	v11 =	vadd.f32 v11, v26;
	v6 =	vld [tilespmem:s24+$0x190];
	(pc) =	sbr.rel @p2 .LBB2_7-.Ltmp2, $4  }
0x1d4: {  	[tilespmem:s24+$0x17830] =	vst v10;
	v10 =	vadd.f32 v12, v27;
	v7 =	vld [tilespmem:s24+$0x1A0]  }
0x1d5: {  	[tilespmem:s24+$0x17840] =	vst v11;
	v11 =	vadd.f32 v8, v28;
	v8 =	vld [tilespmem:s24+$0x1B0]  }
0x1d6: {  	[tilespmem:s24+$0x17850] =	vst v10;
	v12 =	vadd.f32 v9, v29;
	v9 =	vld [tilespmem:s24+$0x1C0]  }
0x1d7: {  	s10 =	sadd.s32 $0x800, s10;
	[tilespmem:s24+$0x17860] =	vst v11;
	v11 =	vadd.f32 v13, v30;
	v10 =	vld [tilespmem:s24+$0x1D0]  }
0x1d8: {  	[tilespmem:s24+$0x17870] =	vst v12;
	v5 =	vadd.f32 v6, v5;
	v6 =	vld [tilespmem:s24+$0x1E0]  }
0x1d9: {  	[tilespmem:s24+$0x17880] =	vst v11;
	v4 =	vadd.f32 v7, v4  }
0x1da: {  	[tilespmem:s24+$0x17890] =	vst v5;
	v1 =	vadd.f32 v8, v1  }
0x1db: {  	[tilespmem:s24+$0x178A0] =	vst v4;
	v2 =	vadd.f32 v9, v2  }
0x1dc: {  	[tilespmem:s24+$0x178B0] =	vst v1;
	v0 =	vadd.f32 v10, v0  }
0x1dd: {  	[tilespmem:s24+$0x178C0] =	vst v2;
	v1 =	vadd.f32 v6, v3  }
0x1de: {  	s10 =	sadd.s32 @!p0 $0x36B0, s21;
	s26 =	simm.s32 @!p0 $0xAF00;
	[tilespmem:s24+$0x178D0] =	vst v0  }
0x1df: {  	s28 =	sadd.s32 s6, s25;
	s25 =	simm.s32 @!p0 $0x60;
	[tilespmem:s24+$0x178E0] =	vst v1;
	s24 =	simm.s32 @!p0 $0x68  }
0x1e0: {  	[tilespmem:s26], [sflag:$0x3] =	stream.indirect.gather @!p0 [hbm4b:s4+s24], $0x40, s10, s24, $0xb8;
	[tilespmem:$0x1DB00] =	vst v63  }
0x1e1: {  	s10 =	sadd.s32 @!p0 $0x3718, s21;
	s26 =	simm.s32 @!p0 $0xC900;
	s24 =	smul.u32 $0x640, s28  }
0x1e2: {  	[tilespmem:s26], [sflag:$0x3] =	stream.indirect.gather @!p0 [hbm4b:s4+s25], $0x40, s10, s25, $0xb8;
	[tilespmem:$0x1DB00] =	vst v63  }
0x1e3: {  	s28 =	sadd.s32 s2, s24  }
0x1e4: {  	[hbm4b:s28+s3] =	stream.linear.scatter [tilespmem:s12], [sflag:$0x7], $0x3200, $0x38;
	[tilespmem:$0x1DB00] =	vst v63  }
0x1e5: {  	_ =	swait.ge [sflag:s14], $0x1A00  }
0x1e6: {  	[sflag:s14] =	ssyncset.done $0x0  }
0x1e7: {  	[sflag:s14] =	ssyncadd.s32 $0xFFFFE600  }
0x1e8: {  	_ =	swait.ge [sflag:s14], $0x1800  }
0x1e9: {  	[sflag:s14] =	ssyncset.done $0x0  }
0x1ea: {  	s10 =	simm.s32 @!p1 $0x8;
	[sflag:s14] =	ssyncadd.s32 $0xFFFFE800  }
0x1eb: {  	_ =	swait.ge @!p1 [sflag:s10], $0x3200  }
0x1ec: {  	[sflag:s10] =	ssyncset.done @!p1 $0x0  }
0x1ed: {  	s24 =	simm.s32 $0x0;
	[sflag:s10] =	ssyncadd.s32 @!p1 $0xFFFFCE00  }
0x1ee: {  	v0 =	vld [tilespmem:s24+$0xE2F0]  }
0x1ef: {  	v1 =	vld [tilespmem:s24+$0xE100]  }
0x1f0: {  	v2 =	vld [tilespmem:s24+$0x1F0]  }
0x1f1: {  	v3 =	vld [tilespmem:s24+$0xE110]  }
0x1f2: {  	v4 =	vld [tilespmem:s24+$0xE120]  }
0x1f3: {  	v5 =	vld [tilespmem:s24+$0xE130]  }
0x1f4: {  	v6 =	vld [tilespmem:s24+$0xE140]  }
0x1f5: {  	v7 =	vld [tilespmem:s24+$0xE150]  }
0x1f6: {  	v8 =	vld [tilespmem:s24+$0xE160]  }
0x1f7: {  	v9 =	vld [tilespmem:s24+$0xE170]  }
0x1f8: {  	v10 =	vld [tilespmem:s24+$0xE180]  }
0x1f9: {  	v11 =	vld [tilespmem:s24+$0xE190]  }
0x1fa: {  	v12 =	vld [tilespmem:s24+$0xE1A0]  }
0x1fb: {  	v13 =	vld [tilespmem:s24+$0xE1B0]  }
0x1fc: {  	v14 =	vld [tilespmem:s24+$0xE1C0]  }
0x1fd: {  	v15 =	vld [tilespmem:s24+$0xE1D0]  }
0x1fe: {  	v16 =	vld [tilespmem:s24+$0xE1E0]  }
0x1ff: {  	v17 =	vld [tilespmem:s24+$0xE1F0]  }
0x200: {  	v18 =	vld [tilespmem:s24+$0xE200]  }
0x201: {  	v19 =	vld [tilespmem:s24+$0xE210]  }
0x202: {  	v20 =	vld [tilespmem:s24+$0xE220]  }
0x203: {  	v21 =	vld [tilespmem:s24+$0xE230]  }
0x204: {  	v22 =	vld [tilespmem:s24+$0xE240]  }
0x205: {  	v23 =	vld [tilespmem:s24+$0xE250]  }
0x206: {  	v24 =	vld [tilespmem:s24+$0xE260]  }
0x207: {  	v25 =	vld [tilespmem:s24+$0xE270]  }
0x208: {  	v26 =	vld [tilespmem:s24+$0xE280]  }
0x209: {  	v27 =	vld [tilespmem:s24+$0xE2A0]  }
0x20a: {  	v28 =	vld [tilespmem:s24+$0xE2C0]  }
0x20b: {  	v29 =	vld [tilespmem:s24+$0xE2D0]  }
0x20c: {  	v30 =	vld [tilespmem:s24+$0xE2E0]  }
0x20d: {  	v31 =	vld [tilespmem:s24+$0x0]  }
0x20e: {  	v32 =	vld [tilespmem:s24+$0x10]  }
0x20f: {  	v33 =	vld [tilespmem:s24+$0x20]  }
0x210: {  	v34 =	vld [tilespmem:s24+$0x30]  }
0x211: {  	v35 =	vld [tilespmem:s24+$0x40];
	v0 =	vmul.f32 $8.000000000e+00, v0  }
0x212: {  	v61 =	vld [tilespmem:s24+$0x50];
	v1 =	vmul.f32 $8.000000000e+00, v1  }
0x213: {  	v62 =	vld [tilespmem:s24+$0x60];
	v3 =	vmul.f32 $8.000000000e+00, v3;
	v0 =	vadd.f32 v2, v0  }
0x214: {  	v4 =	vmul.f32 $8.000000000e+00, v4;
	v2 =	vld [tilespmem:s24+$0xE290];
	v1 =	vadd.f32 v31, v1  }
0x215: {  	v5 =	vmul.f32 $8.000000000e+00, v5;
	v3 =	vadd.f32 v32, v3;
	[tilespmem:s24+$0x1AAF0] =	vst v0;
	v0 =	vld [tilespmem:s24+$0xE2B0]  }
0x216: {  	v6 =	vmul.f32 $8.000000000e+00, v6;
	[tilespmem:s24+$0x1A900] =	vst v1;
	v1 =	vadd.f32 v33, v4;
	v4 =	vld [tilespmem:s24+$0x70]  }
0x217: {  	v7 =	vmul.f32 $8.000000000e+00, v7;
	[tilespmem:s24+$0x1A910] =	vst v3;
	v3 =	vadd.f32 v34, v5;
	v5 =	vld [tilespmem:s24+$0x80]  }
0x218: {  	v8 =	vmul.f32 $8.000000000e+00, v8;
	[tilespmem:s24+$0x1A920] =	vst v1;
	v1 =	vadd.f32 v35, v6;
	v6 =	vld [tilespmem:s24+$0x90]  }
0x219: {  	v9 =	vmul.f32 $8.000000000e+00, v9;
	[tilespmem:s24+$0x1A930] =	vst v3;
	v3 =	vadd.f32 v61, v7;
	v7 =	vld [tilespmem:s24+$0xA0]  }
0x21a: {  	v10 =	vmul.f32 $8.000000000e+00, v10;
	[tilespmem:s24+$0x1A940] =	vst v1;
	v1 =	vadd.f32 v62, v8;
	v8 =	vld [tilespmem:s24+$0xB0]  }
0x21b: {  	v11 =	vmul.f32 $8.000000000e+00, v11;
	[tilespmem:s24+$0x1A950] =	vst v3;
	v3 =	vadd.f32 v4, v9;
	v4 =	vld [tilespmem:s24+$0xC0]  }
0x21c: {  	v9 =	vmul.f32 $8.000000000e+00, v12;
	[tilespmem:s24+$0x1A960] =	vst v1;
	v1 =	vadd.f32 v5, v10;
	v5 =	vld [tilespmem:s24+$0xD0]  }
0x21d: {  	v10 =	vmul.f32 $8.000000000e+00, v13;
	[tilespmem:s24+$0x1A970] =	vst v3;
	v3 =	vadd.f32 v6, v11;
	v6 =	vld [tilespmem:s24+$0xE0]  }
0x21e: {  	v11 =	vmul.f32 $8.000000000e+00, v14;
	[tilespmem:s24+$0x1A980] =	vst v1;
	v1 =	vadd.f32 v7, v9;
	v7 =	vld [tilespmem:s24+$0xF0]  }
0x21f: {  	v9 =	vmul.f32 $8.000000000e+00, v15;
	[tilespmem:s24+$0x1A990] =	vst v3;
	v3 =	vadd.f32 v8, v10;
	v8 =	vld [tilespmem:s24+$0x100]  }
0x220: {  	v10 =	vmul.f32 $8.000000000e+00, v16;
	[tilespmem:s24+$0x1A9A0] =	vst v1;
	v1 =	vadd.f32 v4, v11;
	v4 =	vld [tilespmem:s24+$0x110]  }
0x221: {  	v11 =	vmul.f32 $8.000000000e+00, v17;
	[tilespmem:s24+$0x1A9B0] =	vst v3;
	v3 =	vadd.f32 v5, v9;
	v5 =	vld [tilespmem:s24+$0x120]  }
0x222: {  	v9 =	vmul.f32 $8.000000000e+00, v18;
	[tilespmem:s24+$0x1A9C0] =	vst v1;
	v1 =	vadd.f32 v6, v10;
	v6 =	vld [tilespmem:s24+$0x130]  }
0x223: {  	v10 =	vmul.f32 $8.000000000e+00, v19;
	[tilespmem:s24+$0x1A9D0] =	vst v3;
	v3 =	vadd.f32 v7, v11;
	v7 =	vld [tilespmem:s24+$0x140]  }
0x224: {  	v11 =	vmul.f32 $8.000000000e+00, v20;
	[tilespmem:s24+$0x1A9E0] =	vst v1;
	v1 =	vadd.f32 v8, v9;
	v8 =	vld [tilespmem:s24+$0x150]  }
0x225: {  	v9 =	vmul.f32 $8.000000000e+00, v21;
	[tilespmem:s24+$0x1A9F0] =	vst v3;
	v3 =	vadd.f32 v4, v10;
	v10 =	vld [tilespmem:s24+$0x160]  }
0x226: {  	v4 =	vmul.f32 $8.000000000e+00, v22;
	[tilespmem:s24+$0x1AA00] =	vst v1;
	v1 =	vadd.f32 v5, v11;
	v11 =	vld [tilespmem:s24+$0x170]  }
0x227: {  	v12 =	vmul.f32 $8.000000000e+00, v23;
	v13 =	vld [tilespmem:s24+$0x180];
	[tilespmem:s24+$0x1AA10] =	vst v3;
	v3 =	vadd.f32 v6, v9  }
0x228: {  	v9 =	vmul.f32 $8.000000000e+00, v24;
	v6 =	vld [tilespmem:s24+$0x190];
	[tilespmem:s24+$0x1AA20] =	vst v1;
	v15 =	vadd.f32 v7, v4  }
0x229: {  	v63 =	vmul.f32 $8.000000000e+00, v26;
	v14 =	vmul.f32 $8.000000000e+00, v25;
	v7 =	vld [tilespmem:s24+$0x1A0];
	[tilespmem:s24+$0x1AA30] =	vst v3;
	v3 =	vadd.f32 v8, v12  }
0x22a: {  	v5 =	vmul.f32 $8.000000000e+00, v2;
	v2 =	vmul.f32 $8.000000000e+00, v28;
	v8 =	vld [tilespmem:s24+$0x1B0];
	[tilespmem:s24+$0x1AA40] =	vst v15;
	v10 =	vadd.f32 v10, v9  }
0x22b: {  	v4 =	vmul.f32 $8.000000000e+00, v27;
	v1 =	vmul.f32 $8.000000000e+00, v0;
	v9 =	vld [tilespmem:s24+$0x1C0];
	[tilespmem:s24+$0x1AA50] =	vst v3;
	v12 =	vadd.f32 v11, v14  }
0x22c: {  	s22 =	sor.u32 $0x3, s22;
	s25 =	simm.s32 $0x0;
	s10 =	simm.s32 $0x800;
	v0 =	vmul.f32 $8.000000000e+00, v29;
	v3 =	vmul.f32 $8.000000000e+00, v30;
	v11 =	vadd.f32 v13, v63;
	[tilespmem:s24+$0x1AA60] =	vst v10;
	v10 =	vld [tilespmem:s24+$0x1D0]  }
.LBB2_9:
0x22d: {  	s26 =	sshra.s32 s10, $0x2;
	s25 =	sadd.s32 $0x8, s25;
	[tilespmem:s24+$0x1AA70] =	vst v12;
	v5 =	vadd.f32 v6, v5;
	v6 =	vld [tilespmem:s24+$0x1E0]  }
0x22e: {  	v12 =	vld [tilespmem:s26+$0xE2F0];
	p1 =	slt.u32 s25, $0xC0;
	[tilespmem:s24+$0x1AA80] =	vst v11;
	v4 =	vadd.f32 v7, v4  }
0x22f: {  	v7 =	vld [tilespmem:s26+$0xE100];
	[tilespmem:s24+$0x1AA90] =	vst v5;
	v1 =	vadd.f32 v8, v1  }
0x230: {  	v5 =	vld [tilespmem:s26+$0x1F0];
	[tilespmem:s24+$0x1AAA0] =	vst v4;
	v2 =	vadd.f32 v9, v2  }
0x231: {  	v4 =	vld [tilespmem:s26+$0xE110];
	[tilespmem:s24+$0x1AAB0] =	vst v1;
	v0 =	vadd.f32 v10, v0  }
0x232: {  	v1 =	vld [tilespmem:s26+$0xE120];
	[tilespmem:s24+$0x1AAC0] =	vst v2;
	v2 =	vadd.f32 v6, v3  }
0x233: {  	v3 =	vld [tilespmem:s26+$0xE130];
	v6 =	vmul.f32 $8.000000000e+00, v12;
	[tilespmem:s24+$0x1AAD0] =	vst v0  }
0x234: {  	v7 =	vmul.f32 $8.000000000e+00, v7;
	v0 =	vld [tilespmem:s26+$0xE140];
	[tilespmem:s24+$0x1AAE0] =	vst v2;
	s24 =	smov.u32 s26  }
0x235: {  	v2 =	vld [tilespmem:s24+$0xE150];
	v5 =	vadd.f32 v5, v6  }
0x236: {  	v6 =	vmul.f32 $8.000000000e+00, v4;
	v4 =	vld [tilespmem:s24+$0xE160]  }
0x237: {  	v8 =	vmul.f32 $8.000000000e+00, v1;
	v1 =	vld [tilespmem:s24+$0xE170];
	[tilespmem:s24+$0x1AAF0] =	vst v5  }
0x238: {  	v9 =	vmul.f32 $8.000000000e+00, v3;
	v3 =	vld [tilespmem:s24+$0xE180]  }
0x239: {  	v10 =	vmul.f32 $8.000000000e+00, v0;
	v0 =	vld [tilespmem:s24+$0xE190]  }
0x23a: {  	v11 =	vmul.f32 $8.000000000e+00, v2;
	v2 =	vld [tilespmem:s24+$0xE1A0]  }
0x23b: {  	v12 =	vmul.f32 $8.000000000e+00, v4;
	v4 =	vld [tilespmem:s24+$0xE1B0]  }
0x23c: {  	v13 =	vmul.f32 $8.000000000e+00, v1;
	v1 =	vld [tilespmem:s24+$0xE1C0]  }
0x23d: {  	v14 =	vmul.f32 $8.000000000e+00, v3;
	v3 =	vld [tilespmem:s24+$0xE1D0]  }
0x23e: {  	v15 =	vmul.f32 $8.000000000e+00, v0;
	v0 =	vld [tilespmem:s24+$0xE1E0]  }
0x23f: {  	v16 =	vmul.f32 $8.000000000e+00, v2;
	v2 =	vld [tilespmem:s24+$0xE1F0]  }
0x240: {  	v17 =	vmul.f32 $8.000000000e+00, v4;
	v4 =	vld [tilespmem:s24+$0xE200]  }
0x241: {  	v18 =	vmul.f32 $8.000000000e+00, v1;
	v1 =	vld [tilespmem:s24+$0xE210]  }
0x242: {  	v19 =	vmul.f32 $8.000000000e+00, v3;
	v3 =	vld [tilespmem:s24+$0xE220]  }
0x243: {  	v20 =	vmul.f32 $8.000000000e+00, v0;
	v0 =	vld [tilespmem:s24+$0xE230]  }
0x244: {  	v21 =	vmul.f32 $8.000000000e+00, v2;
	v2 =	vld [tilespmem:s24+$0xE240]  }
0x245: {  	v22 =	vmul.f32 $8.000000000e+00, v4;
	v4 =	vld [tilespmem:s24+$0xE250]  }
0x246: {  	v23 =	vmul.f32 $8.000000000e+00, v1;
	v1 =	vld [tilespmem:s24+$0xE260]  }
0x247: {  	v24 =	vmul.f32 $8.000000000e+00, v3;
	v3 =	vld [tilespmem:s24+$0xE270]  }
0x248: {  	v25 =	vmul.f32 $8.000000000e+00, v0;
	v0 =	vld [tilespmem:s24+$0xE280]  }
0x249: {  	v26 =	vmul.f32 $8.000000000e+00, v2;
	v2 =	vld [tilespmem:s24+$0xE290]  }
0x24a: {  	v27 =	vmul.f32 $8.000000000e+00, v4;
	v4 =	vld [tilespmem:s24+$0xE2A0]  }
0x24b: {  	v28 =	vmul.f32 $8.000000000e+00, v1;
	v1 =	vld [tilespmem:s24+$0xE2B0]  }
0x24c: {  	v29 =	vmul.f32 $8.000000000e+00, v3;
	v3 =	vld [tilespmem:s24+$0xE2C0]  }
0x24d: {  	v30 =	vmul.f32 $8.000000000e+00, v0;
	v0 =	vld [tilespmem:s24+$0xE2D0]  }
0x24e: {  	v5 =	vmul.f32 $8.000000000e+00, v2;
	v31 =	vld [tilespmem:s24+$0xE2E0]  }
0x24f: {  	v32 =	vld [tilespmem:s24+$0x0];
	v4 =	vmul.f32 $8.000000000e+00, v4  }
0x250: {  	v33 =	vld [tilespmem:s24+$0x10];
	v1 =	vmul.f32 $8.000000000e+00, v1  }
0x251: {  	v34 =	vld [tilespmem:s24+$0x20];
	v2 =	vmul.f32 $8.000000000e+00, v3  }
0x252: {  	v35 =	vld [tilespmem:s24+$0x30];
	v0 =	vmul.f32 $8.000000000e+00, v0  }
0x253: {  	v36 =	vld [tilespmem:s24+$0x40];
	v3 =	vmul.f32 $8.000000000e+00, v31  }
0x254: {  	v7 =	vadd.f32 v32, v7;
	v31 =	vld [tilespmem:s24+$0x50]  }
0x255: {  	v6 =	vadd.f32 v33, v6;
	v32 =	vld [tilespmem:s24+$0x60]  }
0x256: {  	[tilespmem:s24+$0x1A900] =	vst v7;
	v7 =	vadd.f32 v34, v8;
	v8 =	vld [tilespmem:s24+$0x70]  }
0x257: {  	[tilespmem:s24+$0x1A910] =	vst v6;
	v6 =	vadd.f32 v35, v9;
	v9 =	vld [tilespmem:s24+$0x80]  }
0x258: {  	[tilespmem:s24+$0x1A920] =	vst v7;
	v7 =	vadd.f32 v36, v10;
	v10 =	vld [tilespmem:s24+$0x90]  }
0x259: {  	[tilespmem:s24+$0x1A930] =	vst v6;
	v6 =	vadd.f32 v31, v11;
	v11 =	vld [tilespmem:s24+$0xA0]  }
0x25a: {  	[tilespmem:s24+$0x1A940] =	vst v7;
	v7 =	vadd.f32 v32, v12;
	v12 =	vld [tilespmem:s24+$0xB0]  }
0x25b: {  	[tilespmem:s24+$0x1A950] =	vst v6;
	v6 =	vadd.f32 v8, v13;
	v8 =	vld [tilespmem:s24+$0xC0]  }
0x25c: {  	[tilespmem:s24+$0x1A960] =	vst v7;
	v7 =	vadd.f32 v9, v14;
	v9 =	vld [tilespmem:s24+$0xD0]  }
0x25d: {  	[tilespmem:s24+$0x1A970] =	vst v6;
	v6 =	vadd.f32 v10, v15;
	v10 =	vld [tilespmem:s24+$0xE0]  }
0x25e: {  	[tilespmem:s24+$0x1A980] =	vst v7;
	v7 =	vadd.f32 v11, v16;
	v11 =	vld [tilespmem:s24+$0xF0]  }
0x25f: {  	[tilespmem:s24+$0x1A990] =	vst v6;
	v6 =	vadd.f32 v12, v17;
	v12 =	vld [tilespmem:s24+$0x100]  }
0x260: {  	[tilespmem:s24+$0x1A9A0] =	vst v7;
	v7 =	vadd.f32 v8, v18;
	v8 =	vld [tilespmem:s24+$0x110]  }
0x261: {  	[tilespmem:s24+$0x1A9B0] =	vst v6;
	v6 =	vadd.f32 v9, v19;
	v9 =	vld [tilespmem:s24+$0x120]  }
0x262: {  	[tilespmem:s24+$0x1A9C0] =	vst v7;
	v7 =	vadd.f32 v10, v20;
	v10 =	vld [tilespmem:s24+$0x130]  }
0x263: {  	[tilespmem:s24+$0x1A9D0] =	vst v6;
	v6 =	vadd.f32 v11, v21;
	v11 =	vld [tilespmem:s24+$0x140]  }
0x264: {  	[tilespmem:s24+$0x1A9E0] =	vst v7;
	v7 =	vadd.f32 v12, v22;
	v12 =	vld [tilespmem:s24+$0x150]  }
0x265: {  	[tilespmem:s24+$0x1A9F0] =	vst v6;
	v6 =	vadd.f32 v8, v23;
	v8 =	vld [tilespmem:s24+$0x160]  }
0x266: {  	[tilespmem:s24+$0x1AA00] =	vst v7;
	v7 =	vadd.f32 v9, v24;
	v9 =	vld [tilespmem:s24+$0x170]  }
0x267: {  	[tilespmem:s24+$0x1AA10] =	vst v6;
	v10 =	vadd.f32 v10, v25;
	v13 =	vld [tilespmem:s24+$0x180]  }
.Ltmp3:
0x268: {  	[tilespmem:s24+$0x1AA20] =	vst v7;
	v11 =	vadd.f32 v11, v26;
	v6 =	vld [tilespmem:s24+$0x190];
	(pc) =	sbr.rel @p1 .LBB2_9-.Ltmp3, $4  }
0x269: {  	[tilespmem:s24+$0x1AA30] =	vst v10;
	v10 =	vadd.f32 v12, v27;
	v7 =	vld [tilespmem:s24+$0x1A0]  }
0x26a: {  	[tilespmem:s24+$0x1AA40] =	vst v11;
	v11 =	vadd.f32 v8, v28;
	v8 =	vld [tilespmem:s24+$0x1B0]  }
0x26b: {  	[tilespmem:s24+$0x1AA50] =	vst v10;
	v12 =	vadd.f32 v9, v29;
	v9 =	vld [tilespmem:s24+$0x1C0]  }
0x26c: {  	s10 =	sadd.s32 $0x800, s10;
	[tilespmem:s24+$0x1AA60] =	vst v11;
	v11 =	vadd.f32 v13, v30;
	v10 =	vld [tilespmem:s24+$0x1D0]  }
0x26d: {  	[tilespmem:s24+$0x1AA70] =	vst v12;
	v5 =	vadd.f32 v6, v5;
	v62 =	vld [tilespmem:s24+$0x1E0]  }
0x26e: {  	[tilespmem:s24+$0x1AA80] =	vst v11;
	v4 =	vadd.f32 v7, v4  }
0x26f: {  	[tilespmem:s24+$0x1AA90] =	vst v5;
	v1 =	vadd.f32 v8, v1  }
0x270: {  	[tilespmem:s24+$0x1AAA0] =	vst v4;
	v2 =	vadd.f32 v9, v2  }
0x271: {  	[tilespmem:s24+$0x1AAB0] =	vst v1;
	v0 =	vadd.f32 v10, v0  }
0x272: {  	[tilespmem:s24+$0x1AAC0] =	vst v2;
	v63 =	vadd.f32 v62, v3  }
0x273: {  	s10 =	sadd.s32 @!p0 $0x3778, s21;
	[tilespmem:s24+$0x1AAD0] =	vst v0  }
0x274: {  	s25 =	simm.s32 @!p0 $0xE100;
	s26 =	sadd.s32 s6, s22;
	[tilespmem:s24+$0x1AAE0] =	vst v63;
	s24 =	simm.s32 @!p0 $0x68  }
0x275: {  	[tilespmem:s25], [sflag:$0x4] =	stream.indirect.gather @!p0 [hbm4b:s4+s24], $0x40, s10, s24, $0xb8;
	[tilespmem:$0x1DB00] =	vst v63  }
0x276: {  	s22 =	simm.s32 @!p0 $0x60;
	s10 =	sadd.s32 @!p0 $0x37E0, s21;
	s24 =	simm.s32 @!p0 $0xFB00  }
0x277: {  	[tilespmem:s24], [sflag:$0x4] =	stream.indirect.gather @!p0 [hbm4b:s4+s22], $0x40, s10, s22, $0xb8;
	[tilespmem:$0x1DB00] =	vst v63  }
0x278: {  	p0 =	sne.s32 s23, $0x8  }
.Ltmp4:
0x279: {  	_ = 	snop;
	(pc) =	sbr.rel @p0 .LBB2_2-.Ltmp4, $3  }
0x27a: {  	s21 =	smul.u32 $0x640, s26;
	_ =	sdelay $0x1  }
0x27b: {  	s28 =	sadd.s32 s2, s21  }
0x27c: {  	[hbm4b:s28+s3] =	stream.linear.scatter [tilespmem:s15], [sflag:$0x8], $0x3200, $0x38;
	[tilespmem:$0x1DB00] =	vst v63  }
0x27d: {  	_ =	swait.ge [sflag:s16], $0x3200  }
0x27e: {  	[sflag:s16] =	ssyncset.done $0x0  }
0x27f: {  	[sflag:s16] =	ssyncadd.s32 $0xFFFFCE00  }
0x280: {  	_ =	swait.ge [sflag:s17], $0x3200  }
0x281: {  	[sflag:s17] =	ssyncset.done $0x0  }
0x282: {  	s20 =	sadd.s32 $0x1, s20;
	[sflag:s17] =	ssyncadd.s32 $0xFFFFCE00  }
0x283: {  	p0 =	sne.s32 s20, s8;
	_ =	swait.ge [sflag:s18], $0x3200  }
.Ltmp5:
0x284: {  	[sflag:s18] =	ssyncset.done $0x0;
	(pc) =	sbr.rel @p0 .LBB2_1-.Ltmp5, $4  }
0x285: {  	[sflag:s18] =	ssyncadd.s32 $0xFFFFCE00  }
0x286: {  	_ =	swait.ge [sflag:s19], $0x3200  }
0x287: {  	[sflag:s19] =	ssyncset.done $0x0  }
0x288: {  	[sflag:s19] =	ssyncadd.s32 $0xFFFFCE00  }
0x289: {  	_ =	sfence.sel $0x180000  }
0x28a: {  	[bflag:$0x0] =	sbarrier.arrive $0xFFFF  }
0x28b: {  	_ =	strace $0x90000047  }
0x28c: {  	s0 =	stileid.u32;
	[bflag:$0x2] =	sbarrier.arrive $0xFFFF  }
0x28d: {  	p0 =	sne.s32 s0, $0x0;
	s0 =	rddreg [dreg:$0x2]  }
0x28e: {  	s0 =	sadd.s32 @!p0 $0x100000, s0  }
0x28f: {  	[sflag:s0] =	ssyncadd.tile.s32 @!p0 $0x1;
	_ =	shalt  }
.Lfunc_end2:
_tile_overlayer_lowered:
.L_overlay_start_2:
0x290: {  	(tag) =	ssettag $0x2  }
0x291: {  	s0 =	rddreg [dreg:$0x0];
	s2 =	stileid.u32  }
0x292: {  	s1 =	rddreg [dreg:$0x1];
	p0 =	sne.s32 s2, $0x0  }
0x293: {  	s3 =	rddreg [dreg:$0x2];
	[bflag:$0x3] =	sbarrier.arrive $0xFFFF;
	s2 =	simm.s32 @!p0 $0x1C09  }
0x294: {  	[timem:s3], [sflag:s2] =	dma.local @!p0 [hbm:s0], s1  }
0x295: {  	s0 =	simm.s32 @!p0 $0x9  }
0x296: {  	_ =	swait.ge @!p0 [sflag:s0], s1  }
0x297: {  	s1 =	ssub.s32 @!p0 $0x0, s1;
	[sflag:s0] =	ssyncset.done @!p0 $0x0  }
0x298: {  	[sflag:s0] =	ssyncadd.s32 @!p0 s1  }
0x299: {  	[bflag:$0x3] =	sbarrier.arrive $0xFFFF  }
0x29a: {  	_ =	shalt  }

// kernel: sparse-core-data-format-call.cloned.1.call-start
scs
called_computation_lowered:
.L_overlay_start_0:
0x0: {  	s2 =	sld [smem:$0x3FD9]  }
0x1: {  	s3 =	sld [smem:$0x3FFE];
	_ =	sdelay $0x1  }
0x2: {  	s1 =	srdreg.scid  }
0x3: {  	s0 =	sand.u32 $0x1, s1  }
0x4: {  	s18 =	sshll.u32 s0, $0xA;
	s2 =	sadd.s32 s3, s2  }
0x5: {  	s2 =	sadd.s32 s2, s18  }
0x6: {  	[smem:$0x3FC5] =	sst s2  }
0x7: {  	_ = 	snop  }
0x8: {  	s2 =	sld [smem:$0x3FD0];
	(tm) =	ssettm $0x1  }
0x9: {  	s19 =	sld [smem:$0x3FFB];
	_ =	sdelay $0x3  }
0xa: {  	_ =	strace s19  }
0xb: {  	s3 =	sld [smem:$0x3FFC];
	_ =	sdelay $0x3  }
0xc: {  	_ =	strace s3  }
0xd: {  	s3 =	sld [smem:$0x3FFD];
	_ =	sdelay $0x3  }
0xe: {  	_ =	strace s3  }
0xf: {  	_ =	strace $0x8FFFFFFF  }
0x10: {  	s20 =	sld [smem:$0x3FDB];
	_ =	sdelay $0x1  }
0x11: {  	s4 =	simm.s32 $_scs_section_size  }
0x12: {  	s5 =	simm.s32 $_size__tile_overlayer_lowered;
	s6 =	simm.s32 $_tile_overlayer_lowered  }
0x13: {  	s23 =	simm.s32 $0x1BFF;
	s22 =	sshll.u32 s6, $0x1;
	s3 =	sadd.s32 s4, s20  }
0x14: {  	s7 =	simm.s32 $0x0;
	s21 =	sshll.u32 s5, $0x1;
	s5 =	sadd.s32 s22, s3  }
0x15: {  	[timem:s7], [sflag:s23] =	dma.local [hbm:s5], s21  }
0x16: {  	_ =	swait.ge [sflag:s23], s21  }
0x17: {  	s4 =	ssub.s32 $0x0, s21;
	[sflag:s23] =	ssyncset.done $0x0  }
0x18: {  	[sflag:s23] =	ssyncadd.s32 s4;
	_ =	sdelay $0x1  }
0x19: {  	s24 =	simm.s32 $0x1B8B  }
0x1a: {  	_ =	swait.ge [sflag:s24], $0x1  }
0x1b: {  	[sflag:s24] =	ssyncset.done $0x0  }
0x1c: {  	s26 =	simm.s32 $0x1B8E;
	s25 =	sld [smem:$0x3FFE];
	[sflag:s24] =	ssyncadd.s32 $0xFFFFFFFF  }
0x1d: {  	s27 =	simm.s32 $execute0_lowered;
	[smem:$0x3FD2] =	sst s26  }
0x1e: {  	s5 =	sshll.u32 s27, $0x1;
	_ =	strace $0x80000049;
	[dreg:$0x1] =	wrdreg $0xFFFFFFFF  }
0x1f: {  	s28 =	simm.s32 $_size_execute0_lowered;
	s3 =	sadd.s32 s3, s5;
	[dreg:$0x0] =	wrdreg $0x0  }
0x20: {  	s5 =	sshll.u32 s28, $0x1;
	[dreg:$0x2] =	wrdreg s3  }
0x21: {  	[dreg:$0x3] =	wrdreg s5  }
0x22: {  	[dreg:$0x4] =	wrdreg $0xC0  }
0x23: {  	_ =	task [dreg:s7], $0x5FFFF  }
0x24: {  	[dreg:$0x1] =	wrdreg $0xFFFFFFFF  }
0x25: {  	[dreg:$0x0] =	wrdreg $0x60  }
0x26: {  	[dreg:$0x2] =	wrdreg s25  }
0x27: {  	[dreg:$0x3] =	wrdreg s2  }
0x28: {  	[dreg:$0x4] =	wrdreg $0x9  }
0x29: {  	_ =	task.clear_ibuf [dreg:s7], $0x5FFFF;
	_ =	strace $0x90000049  }
0x2a: {  	s29 =	simm.s32 $0x9;
	_ =	strace $0x8000004B  }
0x2b: {  	_ =	swait.ge [sflag:s29], $0x1  }
0x2c: {  	[sflag:s29] =	ssyncadd.s32 $0xFFFFFFFF  }
0x2d: {  	_ =	strace $0x9000004B  }
0x2e: {  	_ =	sfence  }
0x2f: {  	s30 =	sld [smem:$0x0];
	_ =	sdelay $0x2  }
0x30: {  	s31 =	sshll.u32 s1, $0xD;
	s1 =	sshrl.u32 s1, $0x2  }
0x31: {  	s3 =	sand.u32 $0x4000, s31;
	s1 =	sadd.s32 s1, s30  }
0x32: {  	s0 =	sor.u32 s3, s0;
	s1 =	sshll.u32 s1, $0x11  }
0x33: {  	s0 =	sor.u32 s1, s0  }
0x34: {  	s0 =	sadd.s32 $0x8F2B, s0  }
0x35: {  	[sflag:s0] =	ssyncadd.remote.s32 $0x1  }
0x36: {  	_ =	sfence.sel $0xFFFF  }
0x37: {  	[dreg:$0x0] =	wrdreg $0xFFFFFFFF;
	(pc) =	sbr.abs _section_cstart, $3  }
0x38: {  	[dreg:$0x1] =	wrdreg $0xFFFFFFFF  }
0x39: {  	_ =	task.clear_ibuf [dreg:s7], $0x2FFFF;
	_ =	strace $0x9FFFFFFF  }
0x3a: {  	(tm) =	ssettm $0x7FFFFFFF  }
0x3b: {  	_ =	shalt  }
tec
execute0_lowered:
.L_overlay_start_1:
0x0: {  	(tag) =	ssettag $0x1  }
0x1: {  	s0 =	stileid.u32;
	s6 =	rddreg [dreg:$0x0]  }
0x2: {  	s2 =	rddreg [dreg:$0x1];
	s5 =	srdreg.scid  }
0x3: {  	s31 =	simm.s32 $0x2;
	s13 =	simm.s32 $0x0;
	s1 =	sshll.u32 s0, $0x7  }
0x4: {  	s14 =	simm.s32 $0x0;
	s12 =	simm.s32 $0x0;
	s3 =	sand.u32 $0x380, s1  }
0x5: {  	s5 =	sshll.u32 s5, $0x4;
	s6 =	sadd.s32 $0x800, s6;
	s4 =	ssub.s32 $0x400, s3  }
0x6: {  	s1 =	rddreg [dreg:$0x2];
	_ =	strace $0x8000004A;
	s7 =	sand.u32 $0x380, s4  }
0x7: {  	s5 =	sand.u32 $0x10, s5;
	p0 =	sne.s32 s7, $0x0;
	s7 =	simm.s32 $0x1  }
.Ltmp0:
0x8: {  	s8 =	sshrl.u32 s4, $0xA;
	s7 =	simm.s32 @!p0 $0x0;
	(pc) =	sbr.rel .LBB1_1-.Ltmp0, $4  }
0x9: {  	s9 =	sor.u32 s0, s5;
	s4 =	simm.s32 $0x1;
	s30 =	sadd.s32 s7, s8  }
0xa: {  	s11 =	smov.u32 s3;
	[sflag:s4] =	ssyncpa.u1 $0x0;
	s5 =	smul.u32 $0x32, s30  }
0xb: {  	[sflag:s31] =	ssyncpa.u1 $0x0;
	p0 =	por $0x0, $0x0;
	s7 =	sshrl.u32 s9, $0x3  }
0xc: {  	s9 =	simm.s32 $0x2000;
	s10 =	smov.u32 s7;
	s8 =	sor.u32 $0x1, s5  }
.LBB1_4:
0xd: {  	s17 =	sand.u32 $0x1F80, s14;
	s13 =	sshll.u32 s13, $0xD  }
0xe: {  	[tilespmem:s16+$0x810 ss:$0x81] =	vst.msk $0xffff, v2;
	s18 =	sshrl.u32 s14, $0x3;
	s31 =	sand.u32 $0x7, s14;
	s17 =	sadd.s32 s2, s17  }
0xf: {  	[tilespmem:s16+$0x1020 ss:$0x81] =	vst.msk $0xffff, v0;
	s18 =	sand.u32 $0xF, s18;
	s14 =	sshll.u32 s31, $0x12;
	s13 =	sadd.s32 s13, s17  }
0x10: {  	[tilespmem:s16+$0x0 ss:$0x81] =	vst.msk $0xffff, v1;
	s14 =	sor.u32 $0x400, s14;
	s13 =	sadd.s32 s18, s13  }
0x11: {  	[hbm4b:s13+s14] =	stream.strided.scatter [tilespmem:s15], [sflag:$0x2], $0x2000, s9, s14, $0x20;
	[tilespmem:$0x8080] =	vst v63  }
.LBB1_5:
0x12: {  	s15 =	sadd.s32 $0x4, s10  }
0x13: {  	s13 =	sadd.s32 $0x400, s11;
	s17 =	smov.u32 s11;
	p2 =	sgt.s32 s15, $0xC7  }
0x14: {  	s17 =	smov.u32 @p2 s13  }
0x15: {  	s15 =	smov.u32 @p2 s7;
	p2 =	sgt.s32 s17, $0x3FF  }
0x16: {  	s17 =	smov.u32 @p2 s3;
	p2 =	sne.s32 s12, s8  }
.Ltmp1:
0x17: {  	p1 =	slt.u32 s12, $0x2;
	(pc) =	sbr.rel @!p2 .LBB1_6-.Ltmp1, $4  }
0x18: {  	s16 =	simm.s32 @!p1 $0x2  }
0x19: {  	s14 =	smov.u32 s11;
	p0 =	por !p0, !p0;
	_ =	swait.ge @!p1 [sflag:s16], $0x2000  }
0x1a: {  	s13 =	smov.u32 s10;
	[sflag:s16] =	ssyncset.done @!p1 $0x0;
	s10 =	smov.u32 s15  }
0x1b: {  	s12 =	sadd.s32 $0x1, s12;
	[sflag:s16] =	ssyncadd.s32 @!p1 $0xFFFFE000;
	s11 =	smov.u32 s17  }
.LBB1_1:
0x1c: {  	p1 =	sge.u32 s12, s5  }
0x1d: {  	s15 =	sand.u32 @!p1 $0x1FFFFFF, s10  }
0x1e: {  	s16 =	smulhi.u32 @!p1 $0x147AE15, s15;
	_ =	sdelay $0x1  }
0x1f: {  	s16 =	smul.u32 @!p1 $0xC8, s16  }
0x20: {  	s17 =	sxor.u32 @!p1 $0xFFFFFFFF, s12;
	s18 =	smul.u32 @!p1 $0xC80, s11  }
0x21: {  	s31 =	sadd.s32 $0xFFFFFFFF, s12;
	s17 =	sshll.u32 @!p1 s17, $0xD;
	s15 =	ssub.s32 @!p1 s15, s16  }
0x22: {  	s16 =	sand.u32 @!p1 $0x2000, s17;
	s17 =	sadd.s32 @!p1 s6, s18;
	s15 =	sshll.u32 @!p1 s15, $0x4  }
0x23: {  	s18 =	simm.s32 @!p1 $0x6400;
	s15 =	sadd.s32 @!p1 s15, s17;
	s17 =	simm.s32 @!p1 $0x40  }
0x24: {  	[tilespmem:s16], [sflag:$0x1] =	stream.strided.gather @!p1 [hbm4b:s15+s17], $0x2000, s18, s17, $0x38;
	[tilespmem:$0x8080] =	vst v63  }
0x25: {  	p1 =	sge.u32 s31, s5  }
.Ltmp2:
0x26: {  	_ = 	snop;
	(pc) =	sbr.rel @p1 .LBB1_5-.Ltmp2, $1  }
0x27: {  	_ =	sdelay $0x3  }
0x28: {  	s15 =	simm.s32 $0x1  }
0x29: {  	_ =	swait.ge [sflag:s4], $0x2000;
	s15 =	simm.s32 @!p0 $0x0  }
0x2a: {  	[sflag:s4] =	ssyncset.done $0x0;
	s16 =	sshll.u32 s15, $0xD  }
0x2b: {  	[sflag:s4] =	ssyncadd.s32 $0xFFFFE000;
	s19 =	sor.u32 $0x20, s16  }
0x2c: {  	s15 =	smul.u32 $0x8100, s15;
	v3 =	vld [tilespmem:s19+$0x10]  }
0x2d: {  	s30 =	sand.u32 $0x1, s12;
	v2 =	vld [tilespmem:s19+$0xFFFFFFF0]  }
0x2e: {  	s16 =	smul.u32 $0x8100, s30;
	s15 =	sshrl.u32 s15, $0x2;
	v0 =	vld [tilespmem:s19+$0x0]  }
0x2f: {  	v1 =	vld [tilespmem:s19+$0xFFFFFFE0];
	s17 =	sor.u32 $0x4000, s15  }
0x30: {  	s31 =	sshrl.u32 s16, $0x2;
	s16 =	sadd.s32 $0x0, s17  }
0x31: {  	s18 =	simm.s32 $0x4;
	s19 =	sadd.s32 $0x40, s19;
	s15 =	sor.u32 $0x4000, s31;
	[tilespmem:s16+$0x1830 ss:$0x81] =	vst.msk $0xffff, v3  }
.LBB1_3:
0x32: {  	v3 =	vld [tilespmem:s19+$0x10];
	p1 =	sne.s32 s18, $0x1FC;
	[tilespmem:s16+$0x810 ss:$0x81] =	vst.msk $0xffff, v2;
	s20 =	smov.u32 s18;
	s18 =	sadd.s32 $0x4, s18  }
.Ltmp3:
0x33: {  	v2 =	vld [tilespmem:s19+$0xFFFFFFF0];
	[tilespmem:s16+$0x1020 ss:$0x81] =	vst.msk $0xffff, v0;
	(pc) =	sbr.rel @p1 .LBB1_3-.Ltmp3, $4  }
0x34: {  	v0 =	vld [tilespmem:s19+$0x0];
	[tilespmem:s16+$0x0 ss:$0x81] =	vst.msk $0xffff, v1  }
0x35: {  	s16 =	sshra.s32 s20, $0x2;
	v1 =	vld [tilespmem:s19+$0xFFFFFFE0]  }
0x36: {  	s16 =	sadd.s32 s16, s17  }
0x37: {  	s19 =	sadd.s32 $0x40, s19;
	[tilespmem:s16+$0x1830 ss:$0x81] =	vst.msk $0xffff, v3  }
.Ltmp4:
0x38: {  	_ = 	snop;
	(pc) =	sbr.rel .LBB1_4-.Ltmp4, $1  }
0x39: {  	_ =	sdelay $0x3  }
.LBB1_6:
0x3a: {  	_ =	sfence.sel $0x180000  }
0x3b: {  	s2 =	simm.s32 $0x1;
	[bflag:$0x0] =	sbarrier.arrive $0xFFFF  }
0x3c: {  	s31 =	simm.s32 $0x2;
	[sflag:s2] =	ssyncpa.u1 $0x1  }
0x3d: {  	[sflag:s31] =	ssyncpa.u1 $0x1  }
0x3e: {  	p0 =	sne.s32 s0, $0x0;
	_ =	strace $0x9000004A  }
0x3f: {  	s0 =	sadd.s32 @!p0 $0x100000, s1;
	[bflag:$0x2] =	sbarrier.arrive $0xFFFF  }
0x40: {  	[sflag:s0] =	ssyncadd.tile.s32 @!p0 $0x1;
	_ =	shalt  }
.Lfunc_end1:
_tile_overlayer_lowered:
.L_overlay_start_2:
0x41: {  	(tag) =	ssettag $0x2  }
0x42: {  	s0 =	rddreg [dreg:$0x0];
	s2 =	stileid.u32  }
0x43: {  	s1 =	rddreg [dreg:$0x1];
	p0 =	sne.s32 s2, $0x0  }
0x44: {  	s3 =	rddreg [dreg:$0x2];
	[bflag:$0x3] =	sbarrier.arrive $0xFFFF;
	s2 =	simm.s32 @!p0 $0x1C01  }
0x45: {  	[timem:s3], [sflag:s2] =	dma.local @!p0 [hbm:s0], s1  }
0x46: {  	s0 =	simm.s32 @!p0 $0x1  }
0x47: {  	_ =	swait.ge @!p0 [sflag:s0], s1  }
0x48: {  	s1 =	ssub.s32 @!p0 $0x0, s1;
	[sflag:s0] =	ssyncset.done @!p0 $0x0  }
0x49: {  	[sflag:s0] =	ssyncadd.s32 @!p0 s1  }
0x4a: {  	[bflag:$0x3] =	sbarrier.arrive $0xFFFF  }
0x4b: {  	_ =	shalt  }

</sc_bundles>
